<compile_context>
chip_gen: v7x
topology: tpu7x:2x2x1
jax: 0.10.2.dev20260603
libtpu: 0.0.44.dev20260713+nightly
codegen_flags: <defaults>
</compile_context>

<pallas_src>
import functools
import jax
import jax.numpy as jnp
from jax import lax
from jax.experimental import pallas as pl
from jax.experimental.pallas import tpu as pltpu
from jax.experimental.pallas import tpu_sc as plsc

_NUM_MODALITIES = 3
_HIDDEN = 1024
_N = 4 * 8192
_NC, _NS = 2, 16
_NW = _NC * _NS
_RPW = _N // _NW
_K = 16
_LAG = 1
_NG = _RPW // _K

_mesh = plsc.VectorSubcoreMesh(core_axis_name="c", subcore_axis_name="s")


@functools.partial(
    pl.kernel,
    out_type=jax.ShapeDtypeStruct((_N, _HIDDEN), jnp.float32),
    mesh=_mesh,
    scratch_types=[
        pltpu.VMEM((_RPW,), jnp.int32),
        pltpu.VMEM((_NUM_MODALITIES, _HIDDEN), jnp.float32),
        pltpu.SemaphoreType.DMA,
    ],
)
def _emb_lookup(ids_hbm, table_hbm, out_hbm, idx_v, table_v, dsem):
    wid = lax.axis_index("s") * _NC + lax.axis_index("c")
    base = wid * _RPW
    pltpu.sync_copy(table_hbm, table_v)
    pltpu.sync_copy(ids_hbm.at[pl.ds(base, _RPW)], idx_v)

    @pl.loop(0, _NG)
    def _grp(g):
        r0 = g * _K
        for v0 in range(0, _K, 16):
            ids_vec = idx_v[pl.ds(r0 + v0, 16)]
            for i in range(16):
                m = ids_vec[i]
                pltpu.async_copy(
                    table_v.at[m], out_hbm.at[base + r0 + v0 + i], dsem
                )

        @pl.when(g >= _LAG)
        def _():
            for _ in range(_K):
                pltpu.make_async_copy(table_v.at[0], out_hbm.at[base], dsem).wait()

    for _ in range(_K * _LAG):
        pltpu.make_async_copy(table_v.at[0], out_hbm.at[base], dsem).wait()


def kernel(modality_ids, emb_weight):
    ids_flat = modality_ids.reshape(-1).astype(jnp.int32)
    out = _emb_lookup(ids_flat, emb_weight)
    return out.reshape(modality_ids.shape + (_HIDDEN,))

# --- scband reference (transcript-rebuilt; emitter-appended) ---
"""Pipeline reference for scband-modality-embedding-86122684220138 (READ-ONLY COPY).

The authoritative reference and input builder live on the scoring server;
editing this copy changes nothing except your own understanding.
"""

import jax, jax.numpy as jnp
import numpy as np

NUM_MODALITIES = 3
HIDDEN_DIM = 1024
BATCH = 4
SEQ = 8192

def setup_inputs(seed: int = 0) -> dict:
    key = jax.random.key(seed)
    k_ids, k_emb = jax.random.split(key)
    modality_ids = jax.random.randint(k_ids, (BATCH, SEQ), 0, NUM_MODALITIES, dtype=jnp.int64 if jax.config.jax_enable_x64 else jnp.int32)
    emb_weight = jax.random.normal(k_emb, (NUM_MODALITIES, HIDDEN_DIM), dtype=jnp.float32)
    return {"modality_ids": modality_ids, "emb_weight": emb_weight}

def reference(modality_ids, emb_weight):
    # nn.Embedding lookup: table[idx]
    return jnp.take(emb_weight, modality_ids, axis=0)

if __name__ == "__main__":
    import jax
    _d = setup_inputs()
    print(jax.jit(kernel)(*tuple(_d.values())))

</pallas_src>

<mosaic_0001>
#map = affine_map<(d0, d1) -> (0)>
#map1 = affine_map<(d0, d1) -> (0, 0)>
module attributes {stable_mosaic.version = 14 : i64} {
  func.func @_emb_lookup(%arg0: i32, %arg1: i32, %arg2: memref<32768xi32, #tpu.memory_space<hbm>>, %arg3: memref<3x1024xf32, #tpu.memory_space<hbm>>, %arg4: memref<32768x1024xf32, #tpu.memory_space<hbm>>, %arg5: memref<1024xi32, #tpu.memory_space<vmem>>, %arg6: memref<3x1024xf32, #tpu.memory_space<vmem>>, %arg7: memref<!tpu.dma_semaphore, #tpu.memory_space<semaphore_mem>>) attributes {dimension_semantics = [#tpu.dimension_semantics<core_parallel>, #tpu.dimension_semantics<subcore_parallel>], iteration_bounds = array<i64: 2, 16>, scalar_prefetch = 0 : i64, scratch_operands = 3 : i64, tpu.core_type = #tpu.core_type<sc_vector_subcore>, window_params = [{transform_indices = #map}, {transform_indices = #map1}, {transform_indices = #map1}]} {
    %mul3A = arith.constant 2 : i32
    %mul3A_0 = arith.muli %arg1, %mul3A : i32
    %add3A = arith.addi %mul3A_0, %arg0 : i32
    %mul3A_1 = arith.constant 1024 : i32
    %mul3A_2 = arith.muli %add3A, %mul3A_1 : i32
    "tpu.region"() ({
      %run_scoped3A = tpu.sem_alloc : memref<!tpu.dma_semaphore, #tpu.memory_space<semaphore_mem>>
      tpu.enqueue_dma source(%arg3 : memref<3x1024xf32, #tpu.memory_space<hbm>>) target(%arg6 : memref<3x1024xf32, #tpu.memory_space<vmem>>) target_semaphore(%run_scoped3A : memref<!tpu.dma_semaphore, #tpu.memory_space<semaphore_mem>>)
      tpu.wait_dma2 semaphore(%run_scoped3A : memref<!tpu.dma_semaphore, #tpu.memory_space<semaphore_mem>>) src(%arg3 : memref<3x1024xf32, #tpu.memory_space<hbm>>) dst(%arg6 : memref<3x1024xf32, #tpu.memory_space<vmem>>)
      tpu.yield
    }) : () -> ()
    "tpu.region"() ({
      %run_scoped3A = tpu.sem_alloc : memref<!tpu.dma_semaphore, #tpu.memory_space<semaphore_mem>>
      %dma_start3A = tpu.memref_slice %arg2[%mul3A_2] : memref<32768xi32, #tpu.memory_space<hbm>> -> memref<1024xi32, #tpu.memory_space<hbm>>
      %dma_start3A_214 = tpu.memref_slice %arg2[%mul3A_2] : memref<32768xi32, #tpu.memory_space<hbm>> -> memref<1024xi32, #tpu.memory_space<hbm>>
      tpu.enqueue_dma source(%dma_start3A_214 : memref<1024xi32, #tpu.memory_space<hbm>>) target(%arg5 : memref<1024xi32, #tpu.memory_space<vmem>>) target_semaphore(%run_scoped3A : memref<!tpu.dma_semaphore, #tpu.memory_space<semaphore_mem>>)
      %dma_wait3A_215 = tpu.memref_slice %arg2[%mul3A_2] : memref<32768xi32, #tpu.memory_space<hbm>> -> memref<1024xi32, #tpu.memory_space<hbm>>
      %dma_wait3A_216 = tpu.memref_slice %arg2[%mul3A_2] : memref<32768xi32, #tpu.memory_space<hbm>> -> memref<1024xi32, #tpu.memory_space<hbm>>
      tpu.wait_dma2 semaphore(%run_scoped3A : memref<!tpu.dma_semaphore, #tpu.memory_space<semaphore_mem>>) src(%dma_wait3A_216 : memref<1024xi32, #tpu.memory_space<hbm>>) dst(%arg5 : memref<1024xi32, #tpu.memory_space<vmem>>)
      tpu.yield
    }) : () -> ()
    %scan3A = arith.constant 0 : i32
    %scan3A_3 = arith.constant 64 : i32
    %scan3A_4 = arith.addi %scan3A, %scan3A_3 : i32
    %scan3A_5 = arith.constant 1 : i32
    scf.for %scan3A_214 = %scan3A to %scan3A_4 step %scan3A_5  : i32 {
      %mul3A_215 = arith.constant 1 : i32
      %mul3A_216 = arith.muli %scan3A_214, %mul3A_215 : i32
      %add3A_217 = arith.constant 0 : i32
      %add3A_218 = arith.addi %add3A_217, %mul3A_216 : i32
      %mul3A_219 = arith.constant 16 : i32
      %mul3A_220 = arith.muli %add3A_218, %mul3A_219 : i32
      %add3A_221 = arith.constant 0 : i32
      %add3A_222 = arith.addi %mul3A_220, %add3A_221 : i32
      %get3A = arith.index_cast %add3A_222 : i32 to index
      %get3A_223 = tpu.vector_load %arg5[%get3A] {strides = array<i32>} : memref<1024xi32, #tpu.memory_space<vmem>>, vector<16xi32>,
      %get3A_224 = vector.shape_cast %get3A_223 : vector<16xi32> to vector<16xi32>
      %slice3A = vector.extract_strided_slice %get3A_224 {offsets = [0], sizes = [1], strides = [1]} : vector<16xi32> to vector<1xi32>
      %squeeze3A = vector.extract %slice3A[0] : i32 from vector<1xi32>
      %add3A_225 = arith.addi %mul3A_2, %mul3A_220 : i32
      %add3A_226 = arith.constant 0 : i32
      %add3A_227 = arith.addi %add3A_225, %add3A_226 : i32
      %add3A_228 = arith.constant 0 : i32
      %add3A_229 = arith.addi %add3A_227, %add3A_228 : i32
      %dma_start3A = arith.constant 0 : i32
      %dma_start3A_230 = tpu.memref_slice %arg6[%squeeze3A, %dma_start3A] : memref<3x1024xf32, #tpu.memory_space<vmem>> -> memref<1x1024xf32, #tpu.memory_space<vmem>>
      %dma_start3A_231 = tpu.memref_squeeze %dma_start3A_230 : memref<1x1024xf32, #tpu.memory_space<vmem>> -> memref<1024xf32, #tpu.memory_space<vmem>>
      %dma_start3A_232 = arith.constant 0 : i32
      %dma_start3A_233 = tpu.memref_slice %arg4[%add3A_229, %dma_start3A_232] : memref<32768x1024xf32, #tpu.memory_space<hbm>> -> memref<1x1024xf32, #tpu.memory_space<hbm>>
      %dma_start3A_234 = tpu.memref_squeeze %dma_start3A_233 : memref<1x1024xf32, #tpu.memory_space<hbm>> -> memref<1024xf32, #tpu.memory_space<hbm>>
      %dma_start3A_235 = arith.constant 0 : i32
      %dma_start3A_236 = tpu.memref_slice %arg4[%add3A_229, %dma_start3A_235] : memref<32768x1024xf32, #tpu.memory_space<hbm>> -> memref<1x1024xf32, #tpu.memory_space<hbm>>
      %dma_start3A_237 = tpu.memref_squeeze %dma_start3A_236 : memref<1x1024xf32, #tpu.memory_space<hbm>> -> memref<1024xf32, #tpu.memory_space<hbm>>
      %dma_start3A_238 = arith.constant 0 : i32
      %dma_start3A_239 = tpu.memref_slice %arg6[%squeeze3A, %dma_start3A_238] : memref<3x1024xf32, #tpu.memory_space<vmem>> -> memref<1x1024xf32, #tpu.memory_space<vmem>>
      %dma_start3A_240 = tpu.memref_squeeze %dma_start3A_239 : memref<1x1024xf32, #tpu.memory_space<vmem>> -> memref<1024xf32, #tpu.memory_space<vmem>>
      tpu.enqueue_dma source(%dma_start3A_240 : memref<1024xf32, #tpu.memory_space<vmem>>) target(%dma_start3A_237 : memref<1024xf32, #tpu.memory_space<hbm>>) target_semaphore(%arg7 : memref<!tpu.dma_semaphore, #tpu.memory_space<semaphore_mem>>)
      %slice3A_241 = vector.extract_strided_slice %get3A_224 {offsets = [1], sizes = [1], strides = [1]} : vector<16xi32> to vector<1xi32>
      %squeeze3A_242 = vector.extract %slice3A_241[0] : i32 from vector<1xi32>
      %add3A_243 = arith.addi %mul3A_2, %mul3A_220 : i32
      %add3A_244 = arith.constant 0 : i32
      %add3A_245 = arith.addi %add3A_243, %add3A_244 : i32
      %add3A_246 = arith.constant 1 : i32
      %add3A_247 = arith.addi %add3A_245, %add3A_246 : i32
      %dma_start3A_248 = arith.constant 0 : i32
      %dma_start3A_249 = tpu.memref_slice %arg6[%squeeze3A_242, %dma_start3A_248] : memref<3x1024xf32, #tpu.memory_space<vmem>> -> memref<1x1024xf32, #tpu.memory_space<vmem>>
      %dma_start3A_250 = tpu.memref_squeeze %dma_start3A_249 : memref<1x1024xf32, #tpu.memory_space<vmem>> -> memref<1024xf32, #tpu.memory_space<vmem>>
      %dma_start3A_251 = arith.constant 0 : i32
      %dma_start3A_252 = tpu.memref_slice %arg4[%add3A_247, %dma_start3A_251] : memref<32768x1024xf32, #tpu.memory_space<hbm>> -> memref<1x1024xf32, #tpu.memory_space<hbm>>
      %dma_start3A_253 = tpu.memref_squeeze %dma_start3A_252 : memref<1x1024xf32, #tpu.memory_space<hbm>> -> memref<1024xf32, #tpu.memory_space<hbm>>
      %dma_start3A_254 = arith.constant 0 : i32
      %dma_start3A_255 = tpu.memref_slice %arg4[%add3A_247, %dma_start3A_254] : memref<32768x1024xf32, #tpu.memory_space<hbm>> -> memref<1x1024xf32, #tpu.memory_space<hbm>>
      %dma_start3A_256 = tpu.memref_squeeze %dma_start3A_255 : memref<1x1024xf32, #tpu.memory_space<hbm>> -> memref<1024xf32, #tpu.memory_space<hbm>>
      %dma_start3A_257 = arith.constant 0 : i32
      %dma_start3A_258 = tpu.memref_slice %arg6[%squeeze3A_242, %dma_start3A_257] : memref<3x1024xf32, #tpu.memory_space<vmem>> -> memref<1x1024xf32, #tpu.memory_space<vmem>>
      %dma_start3A_259 = tpu.memref_squeeze %dma_start3A_258 : memref<1x1024xf32, #tpu.memory_space<vmem>> -> memref<1024xf32, #tpu.memory_space<vmem>>
      tpu.enqueue_dma source(%dma_start3A_259 : memref<1024xf32, #tpu.memory_space<vmem>>) target(%dma_start3A_256 : memref<1024xf32, #tpu.memory_space<hbm>>) target_semaphore(%arg7 : memref<!tpu.dma_semaphore, #tpu.memory_space<semaphore_mem>>)
      %slice3A_260 = vector.extract_strided_slice %get3A_224 {offsets = [2], sizes = [1], strides = [1]} : vector<16xi32> to vector<1xi32>
      %squeeze3A_261 = vector.extract %slice3A_260[0] : i32 from vector<1xi32>
      %add3A_262 = arith.addi %mul3A_2, %mul3A_220 : i32
      %add3A_263 = arith.constant 0 : i32
      %add3A_264 = arith.addi %add3A_262, %add3A_263 : i32
      %add3A_265 = arith.constant 2 : i32
      %add3A_266 = arith.addi %add3A_264, %add3A_265 : i32
      %dma_start3A_267 = arith.constant 0 : i32
      %dma_start3A_268 = tpu.memref_slice %arg6[%squeeze3A_261, %dma_start3A_267] : memref<3x1024xf32, #tpu.memory_space<vmem>> -> memref<1x1024xf32, #tpu.memory_space<vmem>>
      %dma_start3A_269 = tpu.memref_squeeze %dma_start3A_268 : memref<1x1024xf32, #tpu.memory_space<vmem>> -> memref<1024xf32, #tpu.memory_space<vmem>>
      %dma_start3A_270 = arith.constant 0 : i32
      %dma_start3A_271 = tpu.memref_slice %arg4[%add3A_266, %dma_start3A_270] : memref<32768x1024xf32, #tpu.memory_space<hbm>> -> memref<1x1024xf32, #tpu.memory_space<hbm>>
      %dma_start3A_272 = tpu.memref_squeeze %dma_start3A_271 : memref<1x1024xf32, #tpu.memory_space<hbm>> -> memref<1024xf32, #tpu.memory_space<hbm>>
      %dma_start3A_273 = arith.constant 0 : i32
      %dma_start3A_274 = tpu.memref_slice %arg4[%add3A_266, %dma_start3A_273] : memref<32768x1024xf32, #tpu.memory_space<hbm>> -> memref<1x1024xf32, #tpu.memory_space<hbm>>
      %dma_start3A_275 = tpu.memref_squeeze %dma_start3A_274 : memref<1x1024xf32, #tpu.memory_space<hbm>> -> memref<1024xf32, #tpu.memory_space<hbm>>
      %dma_start3A_276 = arith.constant 0 : i32
      %dma_start3A_277 = tpu.memref_slice %arg6[%squeeze3A_261, %dma_start3A_276] : memref<3x1024xf32, #tpu.memory_space<vmem>> -> memref<1x1024xf32, #tpu.memory_space<vmem>>
      %dma_start3A_278 = tpu.memref_squeeze %dma_start3A_277 : memref<1x1024xf32, #tpu.memory_space<vmem>> -> memref<1024xf32, #tpu.memory_space<vmem>>
      tpu.enqueue_dma source(%dma_start3A_278 : memref<1024xf32, #tpu.memory_space<vmem>>) target(%dma_start3A_275 : memref<1024xf32, #tpu.memory_space<hbm>>) target_semaphore(%arg7 : memref<!tpu.dma_semaphore, #tpu.memory_space<semaphore_mem>>)
      %slice3A_279 = vector.extract_strided_slice %get3A_224 {offsets = [3], sizes = [1], strides = [1]} : vector<16xi32> to vector<1xi32>
      %squeeze3A_280 = vector.extract %slice3A_279[0] : i32 from vector<1xi32>
      %add3A_281 = arith.addi %mul3A_2, %mul3A_220 : i32
      %add3A_282 = arith.constant 0 : i32
      %add3A_283 = arith.addi %add3A_281, %add3A_282 : i32
      %add3A_284 = arith.constant 3 : i32
      %add3A_285 = arith.addi %add3A_283, %add3A_284 : i32
      %dma_start3A_286 = arith.constant 0 : i32
      %dma_start3A_287 = tpu.memref_slice %arg6[%squeeze3A_280, %dma_start3A_286] : memref<3x1024xf32, #tpu.memory_space<vmem>> -> memref<1x1024xf32, #tpu.memory_space<vmem>>
      %dma_start3A_288 = tpu.memref_squeeze %dma_start3A_287 : memref<1x1024xf32, #tpu.memory_space<vmem>> -> memref<1024xf32, #tpu.memory_space<vmem>>
      %dma_start3A_289 = arith.constant 0 : i32
      %dma_start3A_290 = tpu.memref_slice %arg4[%add3A_285, %dma_start3A_289] : memref<32768x1024xf32, #tpu.memory_space<hbm>> -> memref<1x1024xf32, #tpu.memory_space<hbm>>
      %dma_start3A_291 = tpu.memref_squeeze %dma_start3A_290 : memref<1x1024xf32, #tpu.memory_space<hbm>> -> memref<1024xf32, #tpu.memory_space<hbm>>
      %dma_start3A_292 = arith.constant 0 : i32
      %dma_start3A_293 = tpu.memref_slice %arg4[%add3A_285, %dma_start3A_292] : memref<32768x1024xf32, #tpu.memory_space<hbm>> -> memref<1x1024xf32, #tpu.memory_space<hbm>>
      %dma_start3A_294 = tpu.memref_squeeze %dma_start3A_293 : memref<1x1024xf32, #tpu.memory_space<hbm>> -> memref<1024xf32, #tpu.memory_space<hbm>>
      %dma_start3A_295 = arith.constant 0 : i32
      %dma_start3A_296 = tpu.memref_slice %arg6[%squeeze3A_280, %dma_start3A_295] : memref<3x1024xf32, #tpu.memory_space<vmem>> -> memref<1x1024xf32, #tpu.memory_space<vmem>>
      %dma_start3A_297 = tpu.memref_squeeze %dma_start3A_296 : memref<1x1024xf32, #tpu.memory_space<vmem>> -> memref<1024xf32, #tpu.memory_space<vmem>>
      tpu.enqueue_dma source(%dma_start3A_297 : memref<1024xf32, #tpu.memory_space<vmem>>) target(%dma_start3A_294 : memref<1024xf32, #tpu.memory_space<hbm>>) target_semaphore(%arg7 : memref<!tpu.dma_semaphore, #tpu.memory_space<semaphore_mem>>)
      %slice3A_298 = vector.extract_strided_slice %get3A_224 {offsets = [4], sizes = [1], strides = [1]} : vector<16xi32> to vector<1xi32>
      %squeeze3A_299 = vector.extract %slice3A_298[0] : i32 from vector<1xi32>
      %add3A_300 = arith.addi %mul3A_2, %mul3A_220 : i32
      %add3A_301 = arith.constant 0 : i32
      %add3A_302 = arith.addi %add3A_300, %add3A_301 : i32
      %add3A_303 = arith.constant 4 : i32
      %add3A_304 = arith.addi %add3A_302, %add3A_303 : i32
      %dma_start3A_305 = arith.constant 0 : i32
      %dma_start3A_306 = tpu.memref_slice %arg6[%squeeze3A_299, %dma_start3A_305] : memref<3x1024xf32, #tpu.memory_space<vmem>> -> memref<1x1024xf32, #tpu.memory_space<vmem>>
      %dma_start3A_307 = tpu.memref_squeeze %dma_start3A_306 : memref<1x1024xf32, #tpu.memory_space<vmem>> -> memref<1024xf32, #tpu.memory_space<vmem>>
      %dma_start3A_308 = arith.constant 0 : i32
      %dma_start3A_309 = tpu.memref_slice %arg4[%add3A_304, %dma_start3A_308] : memref<32768x1024xf32, #tpu.memory_space<hbm>> -> memref<1x1024xf32, #tpu.memory_space<hbm>>
      %dma_start3A_310 = tpu.memref_squeeze %dma_start3A_309 : memref<1x1024xf32, #tpu.memory_space<hbm>> -> memref<1024xf32, #tpu.memory_space<hbm>>
      %dma_start3A_311 = arith.constant 0 : i32
      %dma_start3A_312 = tpu.memref_slice %arg4[%add3A_304, %dma_start3A_311] : memref<32768x1024xf32, #tpu.memory_space<hbm>> -> memref<1x1024xf32, #tpu.memory_space<hbm>>
      %dma_start3A_313 = tpu.memref_squeeze %dma_start3A_312 : memref<1x1024xf32, #tpu.memory_space<hbm>> -> memref<1024xf32, #tpu.memory_space<hbm>>
      %dma_start3A_314 = arith.constant 0 : i32
      %dma_start3A_315 = tpu.memref_slice %arg6[%squeeze3A_299, %dma_start3A_314] : memref<3x1024xf32, #tpu.memory_space<vmem>> -> memref<1x1024xf32, #tpu.memory_space<vmem>>
      %dma_start3A_316 = tpu.memref_squeeze %dma_start3A_315 : memref<1x1024xf32, #tpu.memory_space<vmem>> -> memref<1024xf32, #tpu.memory_space<vmem>>
      tpu.enqueue_dma source(%dma_start3A_316 : memref<1024xf32, #tpu.memory_space<vmem>>) target(%dma_start3A_313 : memref<1024xf32, #tpu.memory_space<hbm>>) target_semaphore(%arg7 : memref<!tpu.dma_semaphore, #tpu.memory_space<semaphore_mem>>)
      %slice3A_317 = vector.extract_strided_slice %get3A_224 {offsets = [5], sizes = [1], strides = [1]} : vector<16xi32> to vector<1xi32>
      %squeeze3A_318 = vector.extract %slice3A_317[0] : i32 from vector<1xi32>
      %add3A_319 = arith.addi %mul3A_2, %mul3A_220 : i32
      %add3A_320 = arith.constant 0 : i32
      %add3A_321 = arith.addi %add3A_319, %add3A_320 : i32
      %add3A_322 = arith.constant 5 : i32
      %add3A_323 = arith.addi %add3A_321, %add3A_322 : i32
      %dma_start3A_324 = arith.constant 0 : i32
      %dma_start3A_325 = tpu.memref_slice %arg6[%squeeze3A_318, %dma_start3A_324] : memref<3x1024xf32, #tpu.memory_space<vmem>> -> memref<1x1024xf32, #tpu.memory_space<vmem>>
      %dma_start3A_326 = tpu.memref_squeeze %dma_start3A_325 : memref<1x1024xf32, #tpu.memory_space<vmem>> -> memref<1024xf32, #tpu.memory_space<vmem>>
      %dma_start3A_327 = arith.constant 0 : i32
      %dma_start3A_328 = tpu.memref_slice %arg4[%add3A_323, %dma_start3A_327] : memref<32768x1024xf32, #tpu.memory_space<hbm>> -> memref<1x1024xf32, #tpu.memory_space<hbm>>
      %dma_start3A_329 = tpu.memref_squeeze %dma_start3A_328 : memref<1x1024xf32, #tpu.memory_space<hbm>> -> memref<1024xf32, #tpu.memory_space<hbm>>
      %dma_start3A_330 = arith.constant 0 : i32
      %dma_start3A_331 = tpu.memref_slice %arg4[%add3A_323, %dma_start3A_330] : memref<32768x1024xf32, #tpu.memory_space<hbm>> -> memref<1x1024xf32, #tpu.memory_space<hbm>>
      %dma_start3A_332 = tpu.memref_squeeze %dma_start3A_331 : memref<1x1024xf32, #tpu.memory_space<hbm>> -> memref<1024xf32, #tpu.memory_space<hbm>>
      %dma_start3A_333 = arith.constant 0 : i32
      %dma_start3A_334 = tpu.memref_slice %arg6[%squeeze3A_318, %dma_start3A_333] : memref<3x1024xf32, #tpu.memory_space<vmem>> -> memref<1x1024xf32, #tpu.memory_space<vmem>>
      %dma_start3A_335 = tpu.memref_squeeze %dma_start3A_334 : memref<1x1024xf32, #tpu.memory_space<vmem>> -> memref<1024xf32, #tpu.memory_space<vmem>>
      tpu.enqueue_dma source(%dma_start3A_335 : memref<1024xf32, #tpu.memory_space<vmem>>) target(%dma_start3A_332 : memref<1024xf32, #tpu.memory_space<hbm>>) target_semaphore(%arg7 : memref<!tpu.dma_semaphore, #tpu.memory_space<semaphore_mem>>)
      %slice3A_336 = vector.extract_strided_slice %get3A_224 {offsets = [6], sizes = [1], strides = [1]} : vector<16xi32> to vector<1xi32>
      %squeeze3A_337 = vector.extract %slice3A_336[0] : i32 from vector<1xi32>
      %add3A_338 = arith.addi %mul3A_2, %mul3A_220 : i32
      %add3A_339 = arith.constant 0 : i32
      %add3A_340 = arith.addi %add3A_338, %add3A_339 : i32
      %add3A_341 = arith.constant 6 : i32
      %add3A_342 = arith.addi %add3A_340, %add3A_341 : i32
      %dma_start3A_343 = arith.constant 0 : i32
      %dma_start3A_344 = tpu.memref_slice %arg6[%squeeze3A_337, %dma_start3A_343] : memref<3x1024xf32, #tpu.memory_space<vmem>> -> memref<1x1024xf32, #tpu.memory_space<vmem>>
      %dma_start3A_345 = tpu.memref_squeeze %dma_start3A_344 : memref<1x1024xf32, #tpu.memory_space<vmem>> -> memref<1024xf32, #tpu.memory_space<vmem>>
      %dma_start3A_346 = arith.constant 0 : i32
      %dma_start3A_347 = tpu.memref_slice %arg4[%add3A_342, %dma_start3A_346] : memref<32768x1024xf32, #tpu.memory_space<hbm>> -> memref<1x1024xf32, #tpu.memory_space<hbm>>
      %dma_start3A_348 = tpu.memref_squeeze %dma_start3A_347 : memref<1x1024xf32, #tpu.memory_space<hbm>> -> memref<1024xf32, #tpu.memory_space<hbm>>
      %dma_start3A_349 = arith.constant 0 : i32
      %dma_start3A_350 = tpu.memref_slice %arg4[%add3A_342, %dma_start3A_349] : memref<32768x1024xf32, #tpu.memory_space<hbm>> -> memref<1x1024xf32, #tpu.memory_space<hbm>>
      %dma_start3A_351 = tpu.memref_squeeze %dma_start3A_350 : memref<1x1024xf32, #tpu.memory_space<hbm>> -> memref<1024xf32, #tpu.memory_space<hbm>>
      %dma_start3A_352 = arith.constant 0 : i32
      %dma_start3A_353 = tpu.memref_slice %arg6[%squeeze3A_337, %dma_start3A_352] : memref<3x1024xf32, #tpu.memory_space<vmem>> -> memref<1x1024xf32, #tpu.memory_space<vmem>>
      %dma_start3A_354 = tpu.memref_squeeze %dma_start3A_353 : memref<1x1024xf32, #tpu.memory_space<vmem>> -> memref<1024xf32, #tpu.memory_space<vmem>>
      tpu.enqueue_dma source(%dma_start3A_354 : memref<1024xf32, #tpu.memory_space<vmem>>) target(%dma_start3A_351 : memref<1024xf32, #tpu.memory_space<hbm>>) target_semaphore(%arg7 : memref<!tpu.dma_semaphore, #tpu.memory_space<semaphore_mem>>)
      %slice3A_355 = vector.extract_strided_slice %get3A_224 {offsets = [7], sizes = [1], strides = [1]} : vector<16xi32> to vector<1xi32>
      %squeeze3A_356 = vector.extract %slice3A_355[0] : i32 from vector<1xi32>
      %add3A_357 = arith.addi %mul3A_2, %mul3A_220 : i32
      %add3A_358 = arith.constant 0 : i32
      %add3A_359 = arith.addi %add3A_357, %add3A_358 : i32
      %add3A_360 = arith.constant 7 : i32
      %add3A_361 = arith.addi %add3A_359, %add3A_360 : i32
      %dma_start3A_362 = arith.constant 0 : i32
      %dma_start3A_363 = tpu.memref_slice %arg6[%squeeze3A_356, %dma_start3A_362] : memref<3x1024xf32, #tpu.memory_space<vmem>> -> memref<1x1024xf32, #tpu.memory_space<vmem>>
      %dma_start3A_364 = tpu.memref_squeeze %dma_start3A_363 : memref<1x1024xf32, #tpu.memory_space<vmem>> -> memref<1024xf32, #tpu.memory_space<vmem>>
      %dma_start3A_365 = arith.constant 0 : i32
      %dma_start3A_366 = tpu.memref_slice %arg4[%add3A_361, %dma_start3A_365] : memref<32768x1024xf32, #tpu.memory_space<hbm>> -> memref<1x1024xf32, #tpu.memory_space<hbm>>
      %dma_start3A_367 = tpu.memref_squeeze %dma_start3A_366 : memref<1x1024xf32, #tpu.memory_space<hbm>> -> memref<1024xf32, #tpu.memory_space<hbm>>
      %dma_start3A_368 = arith.constant 0 : i32
      %dma_start3A_369 = tpu.memref_slice %arg4[%add3A_361, %dma_start3A_368] : memref<32768x1024xf32, #tpu.memory_space<hbm>> -> memref<1x1024xf32, #tpu.memory_space<hbm>>
      %dma_start3A_370 = tpu.memref_squeeze %dma_start3A_369 : memref<1x1024xf32, #tpu.memory_space<hbm>> -> memref<1024xf32, #tpu.memory_space<hbm>>
      %dma_start3A_371 = arith.constant 0 : i32
      %dma_start3A_372 = tpu.memref_slice %arg6[%squeeze3A_356, %dma_start3A_371] : memref<3x1024xf32, #tpu.memory_space<vmem>> -> memref<1x1024xf32, #tpu.memory_space<vmem>>
      %dma_start3A_373 = tpu.memref_squeeze %dma_start3A_372 : memref<1x1024xf32, #tpu.memory_space<vmem>> -> memref<1024xf32, #tpu.memory_space<vmem>>
      tpu.enqueue_dma source(%dma_start3A_373 : memref<1024xf32, #tpu.memory_space<vmem>>) target(%dma_start3A_370 : memref<1024xf32, #tpu.memory_space<hbm>>) target_semaphore(%arg7 : memref<!tpu.dma_semaphore, #tpu.memory_space<semaphore_mem>>)
      %slice3A_374 = vector.extract_strided_slice %get3A_224 {offsets = [8], sizes = [1], strides = [1]} : vector<16xi32> to vector<1xi32>
      %squeeze3A_375 = vector.extract %slice3A_374[0] : i32 from vector<1xi32>
      %add3A_376 = arith.addi %mul3A_2, %mul3A_220 : i32
      %add3A_377 = arith.constant 0 : i32
      %add3A_378 = arith.addi %add3A_376, %add3A_377 : i32
      %add3A_379 = arith.constant 8 : i32
      %add3A_380 = arith.addi %add3A_378, %add3A_379 : i32
      %dma_start3A_381 = arith.constant 0 : i32
      %dma_start3A_382 = tpu.memref_slice %arg6[%squeeze3A_375, %dma_start3A_381] : memref<3x1024xf32, #tpu.memory_space<vmem>> -> memref<1x1024xf32, #tpu.memory_space<vmem>>
      %dma_start3A_383 = tpu.memref_squeeze %dma_start3A_382 : memref<1x1024xf32, #tpu.memory_space<vmem>> -> memref<1024xf32, #tpu.memory_space<vmem>>
      %dma_start3A_384 = arith.constant 0 : i32
      %dma_start3A_385 = tpu.memref_slice %arg4[%add3A_380, %dma_start3A_384] : memref<32768x1024xf32, #tpu.memory_space<hbm>> -> memref<1x1024xf32, #tpu.memory_space<hbm>>
      %dma_start3A_386 = tpu.memref_squeeze %dma_start3A_385 : memref<1x1024xf32, #tpu.memory_space<hbm>> -> memref<1024xf32, #tpu.memory_space<hbm>>
      %dma_start3A_387 = arith.constant 0 : i32
      %dma_start3A_388 = tpu.memref_slice %arg4[%add3A_380, %dma_start3A_387] : memref<32768x1024xf32, #tpu.memory_space<hbm>> -> memref<1x1024xf32, #tpu.memory_space<hbm>>
      %dma_start3A_389 = tpu.memref_squeeze %dma_start3A_388 : memref<1x1024xf32, #tpu.memory_space<hbm>> -> memref<1024xf32, #tpu.memory_space<hbm>>
      %dma_start3A_390 = arith.constant 0 : i32
      %dma_start3A_391 = tpu.memref_slice %arg6[%squeeze3A_375, %dma_start3A_390] : memref<3x1024xf32, #tpu.memory_space<vmem>> -> memref<1x1024xf32, #tpu.memory_space<vmem>>
      %dma_start3A_392 = tpu.memref_squeeze %dma_start3A_391 : memref<1x1024xf32, #tpu.memory_space<vmem>> -> memref<1024xf32, #tpu.memory_space<vmem>>
      tpu.enqueue_dma source(%dma_start3A_392 : memref<1024xf32, #tpu.memory_space<vmem>>) target(%dma_start3A_389 : memref<1024xf32, #tpu.memory_space<hbm>>) target_semaphore(%arg7 : memref<!tpu.dma_semaphore, #tpu.memory_space<semaphore_mem>>)
      %slice3A_393 = vector.extract_strided_slice %get3A_224 {offsets = [9], sizes = [1], strides = [1]} : vector<16xi32> to vector<1xi32>
      %squeeze3A_394 = vector.extract %slice3A_393[0] : i32 from vector<1xi32>
      %add3A_395 = arith.addi %mul3A_2, %mul3A_220 : i32
      %add3A_396 = arith.constant 0 : i32
      %add3A_397 = arith.addi %add3A_395, %add3A_396 : i32
      %add3A_398 = arith.constant 9 : i32
      %add3A_399 = arith.addi %add3A_397, %add3A_398 : i32
      %dma_start3A_400 = arith.constant 0 : i32
      %dma_start3A_401 = tpu.memref_slice %arg6[%squeeze3A_394, %dma_start3A_400] : memref<3x1024xf32, #tpu.memory_space<vmem>> -> memref<1x1024xf32, #tpu.memory_space<vmem>>
      %dma_start3A_402 = tpu.memref_squeeze %dma_start3A_401 : memref<1x1024xf32, #tpu.memory_space<vmem>> -> memref<1024xf32, #tpu.memory_space<vmem>>
      %dma_start3A_403 = arith.constant 0 : i32
      %dma_start3A_404 = tpu.memref_slice %arg4[%add3A_399, %dma_start3A_403] : memref<32768x1024xf32, #tpu.memory_space<hbm>> -> memref<1x1024xf32, #tpu.memory_space<hbm>>
      %dma_start3A_405 = tpu.memref_squeeze %dma_start3A_404 : memref<1x1024xf32, #tpu.memory_space<hbm>> -> memref<1024xf32, #tpu.memory_space<hbm>>
      %dma_start3A_406 = arith.constant 0 : i32
      %dma_start3A_407 = tpu.memref_slice %arg4[%add3A_399, %dma_start3A_406] : memref<32768x1024xf32, #tpu.memory_space<hbm>> -> memref<1x1024xf32, #tpu.memory_space<hbm>>
      %dma_start3A_408 = tpu.memref_squeeze %dma_start3A_407 : memref<1x1024xf32, #tpu.memory_space<hbm>> -> memref<1024xf32, #tpu.memory_space<hbm>>
      %dma_start3A_409 = arith.constant 0 : i32
      %dma_start3A_410 = tpu.memref_slice %arg6[%squeeze3A_394, %dma_start3A_409] : memref<3x1024xf32, #tpu.memory_space<vmem>> -> memref<1x1024xf32, #tpu.memory_space<vmem>>
      %dma_start3A_411 = tpu.memref_squeeze %dma_start3A_410 : memref<1x1024xf32, #tpu.memory_space<vmem>> -> memref<1024xf32, #tpu.memory_space<vmem>>
      tpu.enqueue_dma source(%dma_start3A_411 : memref<1024xf32, #tpu.memory_space<vmem>>) target(%dma_start3A_408 : memref<1024xf32, #tpu.memory_space<hbm>>) target_semaphore(%arg7 : memref<!tpu.dma_semaphore, #tpu.memory_space<semaphore_mem>>)
      %slice3A_412 = vector.extract_strided_slice %get3A_224 {offsets = [10], sizes = [1], strides = [1]} : vector<16xi32> to vector<1xi32>
      %squeeze3A_413 = vector.extract %slice3A_412[0] : i32 from vector<1xi32>
      %add3A_414 = arith.addi %mul3A_2, %mul3A_220 : i32
      %add3A_415 = arith.constant 0 : i32
      %add3A_416 = arith.addi %add3A_414, %add3A_415 : i32
      %add3A_417 = arith.constant 10 : i32
      %add3A_418 = arith.addi %add3A_416, %add3A_417 : i32
      %dma_start3A_419 = arith.constant 0 : i32
      %dma_start3A_420 = tpu.memref_slice %arg6[%squeeze3A_413, %dma_start3A_419] : memref<3x1024xf32, #tpu.memory_space<vmem>> -> memref<1x1024xf32, #tpu.memory_space<vmem>>
      %dma_start3A_421 = tpu.memref_squeeze %dma_start3A_420 : memref<1x1024xf32, #tpu.memory_space<vmem>> -> memref<1024xf32, #tpu.memory_space<vmem>>
      %dma_start3A_422 = arith.constant 0 : i32
      %dma_start3A_423 = tpu.memref_slice %arg4[%add3A_418, %dma_start3A_422] : memref<32768x1024xf32, #tpu.memory_space<hbm>> -> memref<1x1024xf32, #tpu.memory_space<hbm>>
      %dma_start3A_424 = tpu.memref_squeeze %dma_start3A_423 : memref<1x1024xf32, #tpu.memory_space<hbm>> -> memref<1024xf32, #tpu.memory_space<hbm>>
      %dma_start3A_425 = arith.constant 0 : i32
      %dma_start3A_426 = tpu.memref_slice %arg4[%add3A_418, %dma_start3A_425] : memref<32768x1024xf32, #tpu.memory_space<hbm>> -> memref<1x1024xf32, #tpu.memory_space<hbm>>
      %dma_start3A_427 = tpu.memref_squeeze %dma_start3A_426 : memref<1x1024xf32, #tpu.memory_space<hbm>> -> memref<1024xf32, #tpu.memory_space<hbm>>
      %dma_start3A_428 = arith.constant 0 : i32
      %dma_start3A_429 = tpu.memref_slice %arg6[%squeeze3A_413, %dma_start3A_428] : memref<3x1024xf32, #tpu.memory_space<vmem>> -> memref<1x1024xf32, #tpu.memory_space<vmem>>
      %dma_start3A_430 = tpu.memref_squeeze %dma_start3A_429 : memref<1x1024xf32, #tpu.memory_space<vmem>> -> memref<1024xf32, #tpu.memory_space<vmem>>
      tpu.enqueue_dma source(%dma_start3A_430 : memref<1024xf32, #tpu.memory_space<vmem>>) target(%dma_start3A_427 : memref<1024xf32, #tpu.memory_space<hbm>>) target_semaphore(%arg7 : memref<!tpu.dma_semaphore, #tpu.memory_space<semaphore_mem>>)
      %slice3A_431 = vector.extract_strided_slice %get3A_224 {offsets = [11], sizes = [1], strides = [1]} : vector<16xi32> to vector<1xi32>
      %squeeze3A_432 = vector.extract %slice3A_431[0] : i32 from vector<1xi32>
      %add3A_433 = arith.addi %mul3A_2, %mul3A_220 : i32
      %add3A_434 = arith.constant 0 : i32
      %add3A_435 = arith.addi %add3A_433, %add3A_434 : i32
      %add3A_436 = arith.constant 11 : i32
      %add3A_437 = arith.addi %add3A_435, %add3A_436 : i32
      %dma_start3A_438 = arith.constant 0 : i32
      %dma_start3A_439 = tpu.memref_slice %arg6[%squeeze3A_432, %dma_start3A_438] : memref<3x1024xf32, #tpu.memory_space<vmem>> -> memref<1x1024xf32, #tpu.memory_space<vmem>>
      %dma_start3A_440 = tpu.memref_squeeze %dma_start3A_439 : memref<1x1024xf32, #tpu.memory_space<vmem>> -> memref<1024xf32, #tpu.memory_space<vmem>>
      %dma_start3A_441 = arith.constant 0 : i32
      %dma_start3A_442 = tpu.memref_slice %arg4[%add3A_437, %dma_start3A_441] : memref<32768x1024xf32, #tpu.memory_space<hbm>> -> memref<1x1024xf32, #tpu.memory_space<hbm>>
      %dma_start3A_443 = tpu.memref_squeeze %dma_start3A_442 : memref<1x1024xf32, #tpu.memory_space<hbm>> -> memref<1024xf32, #tpu.memory_space<hbm>>
      %dma_start3A_444 = arith.constant 0 : i32
      %dma_start3A_445 = tpu.memref_slice %arg4[%add3A_437, %dma_start3A_444] : memref<32768x1024xf32, #tpu.memory_space<hbm>> -> memref<1x1024xf32, #tpu.memory_space<hbm>>
      %dma_start3A_446 = tpu.memref_squeeze %dma_start3A_445 : memref<1x1024xf32, #tpu.memory_space<hbm>> -> memref<1024xf32, #tpu.memory_space<hbm>>
      %dma_start3A_447 = arith.constant 0 : i32
      %dma_start3A_448 = tpu.memref_slice %arg6[%squeeze3A_432, %dma_start3A_447] : memref<3x1024xf32, #tpu.memory_space<vmem>> -> memref<1x1024xf32, #tpu.memory_space<vmem>>
      %dma_start3A_449 = tpu.memref_squeeze %dma_start3A_448 : memref<1x1024xf32, #tpu.memory_space<vmem>> -> memref<1024xf32, #tpu.memory_space<vmem>>
      tpu.enqueue_dma source(%dma_start3A_449 : memref<1024xf32, #tpu.memory_space<vmem>>) target(%dma_start3A_446 : memref<1024xf32, #tpu.memory_space<hbm>>) target_semaphore(%arg7 : memref<!tpu.dma_semaphore, #tpu.memory_space<semaphore_mem>>)
      %slice3A_450 = vector.extract_strided_slice %get3A_224 {offsets = [12], sizes = [1], strides = [1]} : vector<16xi32> to vector<1xi32>
      %squeeze3A_451 = vector.extract %slice3A_450[0] : i32 from vector<1xi32>
      %add3A_452 = arith.addi %mul3A_2, %mul3A_220 : i32
      %add3A_453 = arith.constant 0 : i32
      %add3A_454 = arith.addi %add3A_452, %add3A_453 : i32
      %add3A_455 = arith.constant 12 : i32
      %add3A_456 = arith.addi %add3A_454, %add3A_455 : i32
      %dma_start3A_457 = arith.constant 0 : i32
      %dma_start3A_458 = tpu.memref_slice %arg6[%squeeze3A_451, %dma_start3A_457] : memref<3x1024xf32, #tpu.memory_space<vmem>> -> memref<1x1024xf32, #tpu.memory_space<vmem>>
      %dma_start3A_459 = tpu.memref_squeeze %dma_start3A_458 : memref<1x1024xf32, #tpu.memory_space<vmem>> -> memref<1024xf32, #tpu.memory_space<vmem>>
      %dma_start3A_460 = arith.constant 0 : i32
      %dma_start3A_461 = tpu.memref_slice %arg4[%add3A_456, %dma_start3A_460] : memref<32768x1024xf32, #tpu.memory_space<hbm>> -> memref<1x1024xf32, #tpu.memory_space<hbm>>
      %dma_start3A_462 = tpu.memref_squeeze %dma_start3A_461 : memref<1x1024xf32, #tpu.memory_space<hbm>> -> memref<1024xf32, #tpu.memory_space<hbm>>
      %dma_start3A_463 = arith.constant 0 : i32
      %dma_start3A_464 = tpu.memref_slice %arg4[%add3A_456, %dma_start3A_463] : memref<32768x1024xf32, #tpu.memory_space<hbm>> -> memref<1x1024xf32, #tpu.memory_space<hbm>>
      %dma_start3A_465 = tpu.memref_squeeze %dma_start3A_464 : memref<1x1024xf32, #tpu.memory_space<hbm>> -> memref<1024xf32, #tpu.memory_space<hbm>>
      %dma_start3A_466 = arith.constant 0 : i32
      %dma_start3A_467 = tpu.memref_slice %arg6[%squeeze3A_451, %dma_start3A_466] : memref<3x1024xf32, #tpu.memory_space<vmem>> -> memref<1x1024xf32, #tpu.memory_space<vmem>>
      %dma_start3A_468 = tpu.memref_squeeze %dma_start3A_467 : memref<1x1024xf32, #tpu.memory_space<vmem>> -> memref<1024xf32, #tpu.memory_space<vmem>>
      tpu.enqueue_dma source(%dma_start3A_468 : memref<1024xf32, #tpu.memory_space<vmem>>) target(%dma_start3A_465 : memref<1024xf32, #tpu.memory_space<hbm>>) target_semaphore(%arg7 : memref<!tpu.dma_semaphore, #tpu.memory_space<semaphore_mem>>)
      %slice3A_469 = vector.extract_strided_slice %get3A_224 {offsets = [13], sizes = [1], strides = [1]} : vector<16xi32> to vector<1xi32>
      %squeeze3A_470 = vector.extract %slice3A_469[0] : i32 from vector<1xi32>
      %add3A_471 = arith.addi %mul3A_2, %mul3A_220 : i32
      %add3A_472 = arith.constant 0 : i32
      %add3A_473 = arith.addi %add3A_471, %add3A_472 : i32
      %add3A_474 = arith.constant 13 : i32
      %add3A_475 = arith.addi %add3A_473, %add3A_474 : i32
      %dma_start3A_476 = arith.constant 0 : i32
      %dma_start3A_477 = tpu.memref_slice %arg6[%squeeze3A_470, %dma_start3A_476] : memref<3x1024xf32, #tpu.memory_space<vmem>> -> memref<1x1024xf32, #tpu.memory_space<vmem>>
      %dma_start3A_478 = tpu.memref_squeeze %dma_start3A_477 : memref<1x1024xf32, #tpu.memory_space<vmem>> -> memref<1024xf32, #tpu.memory_space<vmem>>
      %dma_start3A_479 = arith.constant 0 : i32
      %dma_start3A_480 = tpu.memref_slice %arg4[%add3A_475, %dma_start3A_479] : memref<32768x1024xf32, #tpu.memory_space<hbm>> -> memref<1x1024xf32, #tpu.memory_space<hbm>>
      %dma_start3A_481 = tpu.memref_squeeze %dma_start3A_480 : memref<1x1024xf32, #tpu.memory_space<hbm>> -> memref<1024xf32, #tpu.memory_space<hbm>>
      %dma_start3A_482 = arith.constant 0 : i32
      %dma_start3A_483 = tpu.memref_slice %arg4[%add3A_475, %dma_start3A_482] : memref<32768x1024xf32, #tpu.memory_space<hbm>> -> memref<1x1024xf32, #tpu.memory_space<hbm>>
      %dma_start3A_484 = tpu.memref_squeeze %dma_start3A_483 : memref<1x1024xf32, #tpu.memory_space<hbm>> -> memref<1024xf32, #tpu.memory_space<hbm>>
      %dma_start3A_485 = arith.constant 0 : i32
      %dma_start3A_486 = tpu.memref_slice %arg6[%squeeze3A_470, %dma_start3A_485] : memref<3x1024xf32, #tpu.memory_space<vmem>> -> memref<1x1024xf32, #tpu.memory_space<vmem>>
      %dma_start3A_487 = tpu.memref_squeeze %dma_start3A_486 : memref<1x1024xf32, #tpu.memory_space<vmem>> -> memref<1024xf32, #tpu.memory_space<vmem>>
      tpu.enqueue_dma source(%dma_start3A_487 : memref<1024xf32, #tpu.memory_space<vmem>>) target(%dma_start3A_484 : memref<1024xf32, #tpu.memory_space<hbm>>) target_semaphore(%arg7 : memref<!tpu.dma_semaphore, #tpu.memory_space<semaphore_mem>>)
      %slice3A_488 = vector.extract_strided_slice %get3A_224 {offsets = [14], sizes = [1], strides = [1]} : vector<16xi32> to vector<1xi32>
      %squeeze3A_489 = vector.extract %slice3A_488[0] : i32 from vector<1xi32>
      %add3A_490 = arith.addi %mul3A_2, %mul3A_220 : i32
      %add3A_491 = arith.constant 0 : i32
      %add3A_492 = arith.addi %add3A_490, %add3A_491 : i32
      %add3A_493 = arith.constant 14 : i32
      %add3A_494 = arith.addi %add3A_492, %add3A_493 : i32
      %dma_start3A_495 = arith.constant 0 : i32
      %dma_start3A_496 = tpu.memref_slice %arg6[%squeeze3A_489, %dma_start3A_495] : memref<3x1024xf32, #tpu.memory_space<vmem>> -> memref<1x1024xf32, #tpu.memory_space<vmem>>
      %dma_start3A_497 = tpu.memref_squeeze %dma_start3A_496 : memref<1x1024xf32, #tpu.memory_space<vmem>> -> memref<1024xf32, #tpu.memory_space<vmem>>
      %dma_start3A_498 = arith.constant 0 : i32
      %dma_start3A_499 = tpu.memref_slice %arg4[%add3A_494, %dma_start3A_498] : memref<32768x1024xf32, #tpu.memory_space<hbm>> -> memref<1x1024xf32, #tpu.memory_space<hbm>>
      %dma_start3A_500 = tpu.memref_squeeze %dma_start3A_499 : memref<1x1024xf32, #tpu.memory_space<hbm>> -> memref<1024xf32, #tpu.memory_space<hbm>>
      %dma_start3A_501 = arith.constant 0 : i32
      %dma_start3A_502 = tpu.memref_slice %arg4[%add3A_494, %dma_start3A_501] : memref<32768x1024xf32, #tpu.memory_space<hbm>> -> memref<1x1024xf32, #tpu.memory_space<hbm>>
      %dma_start3A_503 = tpu.memref_squeeze %dma_start3A_502 : memref<1x1024xf32, #tpu.memory_space<hbm>> -> memref<1024xf32, #tpu.memory_space<hbm>>
      %dma_start3A_504 = arith.constant 0 : i32
      %dma_start3A_505 = tpu.memref_slice %arg6[%squeeze3A_489, %dma_start3A_504] : memref<3x1024xf32, #tpu.memory_space<vmem>> -> memref<1x1024xf32, #tpu.memory_space<vmem>>
      %dma_start3A_506 = tpu.memref_squeeze %dma_start3A_505 : memref<1x1024xf32, #tpu.memory_space<vmem>> -> memref<1024xf32, #tpu.memory_space<vmem>>
      tpu.enqueue_dma source(%dma_start3A_506 : memref<1024xf32, #tpu.memory_space<vmem>>) target(%dma_start3A_503 : memref<1024xf32, #tpu.memory_space<hbm>>) target_semaphore(%arg7 : memref<!tpu.dma_semaphore, #tpu.memory_space<semaphore_mem>>)
      %slice3A_507 = vector.extract_strided_slice %get3A_224 {offsets = [15], sizes = [1], strides = [1]} : vector<16xi32> to vector<1xi32>
      %squeeze3A_508 = vector.extract %slice3A_507[0] : i32 from vector<1xi32>
      %add3A_509 = arith.addi %mul3A_2, %mul3A_220 : i32
      %add3A_510 = arith.constant 0 : i32
      %add3A_511 = arith.addi %add3A_509, %add3A_510 : i32
      %add3A_512 = arith.constant 15 : i32
      %add3A_513 = arith.addi %add3A_511, %add3A_512 : i32
      %dma_start3A_514 = arith.constant 0 : i32
      %dma_start3A_515 = tpu.memref_slice %arg6[%squeeze3A_508, %dma_start3A_514] : memref<3x1024xf32, #tpu.memory_space<vmem>> -> memref<1x1024xf32, #tpu.memory_space<vmem>>
      %dma_start3A_516 = tpu.memref_squeeze %dma_start3A_515 : memref<1x1024xf32, #tpu.memory_space<vmem>> -> memref<1024xf32, #tpu.memory_space<vmem>>
      %dma_start3A_517 = arith.constant 0 : i32
      %dma_start3A_518 = tpu.memref_slice %arg4[%add3A_513, %dma_start3A_517] : memref<32768x1024xf32, #tpu.memory_space<hbm>> -> memref<1x1024xf32, #tpu.memory_space<hbm>>
      %dma_start3A_519 = tpu.memref_squeeze %dma_start3A_518 : memref<1x1024xf32, #tpu.memory_space<hbm>> -> memref<1024xf32, #tpu.memory_space<hbm>>
      %dma_start3A_520 = arith.constant 0 : i32
      %dma_start3A_521 = tpu.memref_slice %arg4[%add3A_513, %dma_start3A_520] : memref<32768x1024xf32, #tpu.memory_space<hbm>> -> memref<1x1024xf32, #tpu.memory_space<hbm>>
      %dma_start3A_522 = tpu.memref_squeeze %dma_start3A_521 : memref<1x1024xf32, #tpu.memory_space<hbm>> -> memref<1024xf32, #tpu.memory_space<hbm>>
      %dma_start3A_523 = arith.constant 0 : i32
      %dma_start3A_524 = tpu.memref_slice %arg6[%squeeze3A_508, %dma_start3A_523] : memref<3x1024xf32, #tpu.memory_space<vmem>> -> memref<1x1024xf32, #tpu.memory_space<vmem>>
      %dma_start3A_525 = tpu.memref_squeeze %dma_start3A_524 : memref<1x1024xf32, #tpu.memory_space<vmem>> -> memref<1024xf32, #tpu.memory_space<vmem>>
      tpu.enqueue_dma source(%dma_start3A_525 : memref<1024xf32, #tpu.memory_space<vmem>>) target(%dma_start3A_522 : memref<1024xf32, #tpu.memory_space<hbm>>) target_semaphore(%arg7 : memref<!tpu.dma_semaphore, #tpu.memory_space<semaphore_mem>>)
      %ge3A = arith.constant 1 : i32
      %ge3A_526 = arith.cmpi sge, %add3A_218, %ge3A : i32
      %convert_element_type3A = arith.extui %ge3A_526 : i1 to i32
      %cond3A = arith.constant 0 : i32
      %cond3A_527 = arith.cmpi ne, %convert_element_type3A, %cond3A : i32
      scf.if %cond3A_527 {
        %dma_wait3A_528 = arith.constant 0 : i32
        %dma_wait3A_529 = arith.constant 0 : i32
        %dma_wait3A_530 = tpu.memref_slice %arg6[%dma_wait3A_528, %dma_wait3A_529] : memref<3x1024xf32, #tpu.memory_space<vmem>> -> memref<1x1024xf32, #tpu.memory_space<vmem>>
        %dma_wait3A_531 = tpu.memref_squeeze %dma_wait3A_530 : memref<1x1024xf32, #tpu.memory_space<vmem>> -> memref<1024xf32, #tpu.memory_space<vmem>>
        %dma_wait3A_532 = arith.constant 0 : i32
        %dma_wait3A_533 = tpu.memref_slice %arg4[%mul3A_2, %dma_wait3A_532] : memref<32768x1024xf32, #tpu.memory_space<hbm>> -> memref<1x1024xf32, #tpu.memory_space<hbm>>
        %dma_wait3A_534 = tpu.memref_squeeze %dma_wait3A_533 : memref<1x1024xf32, #tpu.memory_space<hbm>> -> memref<1024xf32, #tpu.memory_space<hbm>>
        %dma_wait3A_535 = arith.constant 0 : i32
        %dma_wait3A_536 = tpu.memref_slice %arg4[%mul3A_2, %dma_wait3A_535] : memref<32768x1024xf32, #tpu.memory_space<hbm>> -> memref<1x1024xf32, #tpu.memory_space<hbm>>
        %dma_wait3A_537 = tpu.memref_squeeze %dma_wait3A_536 : memref<1x1024xf32, #tpu.memory_space<hbm>> -> memref<1024xf32, #tpu.memory_space<hbm>>
        %dma_wait3A_538 = arith.constant 0 : i32
        %dma_wait3A_539 = tpu.memref_slice %arg6[%dma_wait3A_528, %dma_wait3A_538] : memref<3x1024xf32, #tpu.memory_space<vmem>> -> memref<1x1024xf32, #tpu.memory_space<vmem>>
        %dma_wait3A_540 = tpu.memref_squeeze %dma_wait3A_539 : memref<1x1024xf32, #tpu.memory_space<vmem>> -> memref<1024xf32, #tpu.memory_space<vmem>>
        tpu.wait_dma2 semaphore(%arg7 : memref<!tpu.dma_semaphore, #tpu.memory_space<semaphore_mem>>) src(%dma_wait3A_540 : memref<1024xf32, #tpu.memory_space<vmem>>) dst(%dma_wait3A_537 : memref<1024xf32, #tpu.memory_space<hbm>>)
        %dma_wait3A_541 = arith.constant 0 : i32
        %dma_wait3A_542 = arith.constant 0 : i32
        %dma_wait3A_543 = tpu.memref_slice %arg6[%dma_wait3A_541, %dma_wait3A_542] : memref<3x1024xf32, #tpu.memory_space<vmem>> -> memref<1x1024xf32, #tpu.memory_space<vmem>>
        %dma_wait3A_544 = tpu.memref_squeeze %dma_wait3A_543 : memref<1x1024xf32, #tpu.memory_space<vmem>> -> memref<1024xf32, #tpu.memory_space<vmem>>
        %dma_wait3A_545 = arith.constant 0 : i32
        %dma_wait3A_546 = tpu.memref_slice %arg4[%mul3A_2, %dma_wait3A_545] : memref<32768x1024xf32, #tpu.memory_space<hbm>> -> memref<1x1024xf32, #tpu.memory_space<hbm>>
        %dma_wait3A_547 = tpu.memref_squeeze %dma_wait3A_546 : memref<1x1024xf32, #tpu.memory_space<hbm>> -> memref<1024xf32, #tpu.memory_space<hbm>>
        %dma_wait3A_548 = arith.constant 0 : i32
        %dma_wait3A_549 = tpu.memref_slice %arg4[%mul3A_2, %dma_wait3A_548] : memref<32768x1024xf32, #tpu.memory_space<hbm>> -> memref<1x1024xf32, #tpu.memory_space<hbm>>
        %dma_wait3A_550 = tpu.memref_squeeze %dma_wait3A_549 : memref<1x1024xf32, #tpu.memory_space<hbm>> -> memref<1024xf32, #tpu.memory_space<hbm>>
        %dma_wait3A_551 = arith.constant 0 : i32
        %dma_wait3A_552 = tpu.memref_slice %arg6[%dma_wait3A_541, %dma_wait3A_551] : memref<3x1024xf32, #tpu.memory_space<vmem>> -> memref<1x1024xf32, #tpu.memory_space<vmem>>
        %dma_wait3A_553 = tpu.memref_squeeze %dma_wait3A_552 : memref<1x1024xf32, #tpu.memory_space<vmem>> -> memref<1024xf32, #tpu.memory_space<vmem>>
        tpu.wait_dma2 semaphore(%arg7 : memref<!tpu.dma_semaphore, #tpu.memory_space<semaphore_mem>>) src(%dma_wait3A_553 : memref<1024xf32, #tpu.memory_space<vmem>>) dst(%dma_wait3A_550 : memref<1024xf32, #tpu.memory_space<hbm>>)
        %dma_wait3A_554 = arith.constant 0 : i32
        %dma_wait3A_555 = arith.constant 0 : i32
        %dma_wait3A_556 = tpu.memref_slice %arg6[%dma_wait3A_554, %dma_wait3A_555] : memref<3x1024xf32, #tpu.memory_space<vmem>> -> memref<1x1024xf32, #tpu.memory_space<vmem>>
        %dma_wait3A_557 = tpu.memref_squeeze %dma_wait3A_556 : memref<1x1024xf32, #tpu.memory_space<vmem>> -> memref<1024xf32, #tpu.memory_space<vmem>>
        %dma_wait3A_558 = arith.constant 0 : i32
        %dma_wait3A_559 = tpu.memref_slice %arg4[%mul3A_2, %dma_wait3A_558] : memref<32768x1024xf32, #tpu.memory_space<hbm>> -> memref<1x1024xf32, #tpu.memory_space<hbm>>
        %dma_wait3A_560 = tpu.memref_squeeze %dma_wait3A_559 : memref<1x1024xf32, #tpu.memory_space<hbm>> -> memref<1024xf32, #tpu.memory_space<hbm>>
        %dma_wait3A_561 = arith.constant 0 : i32
        %dma_wait3A_562 = tpu.memref_slice %arg4[%mul3A_2, %dma_wait3A_561] : memref<32768x1024xf32, #tpu.memory_space<hbm>> -> memref<1x1024xf32, #tpu.memory_space<hbm>>
        %dma_wait3A_563 = tpu.memref_squeeze %dma_wait3A_562 : memref<1x1024xf32, #tpu.memory_space<hbm>> -> memref<1024xf32, #tpu.memory_space<hbm>>
        %dma_wait3A_564 = arith.constant 0 : i32
        %dma_wait3A_565 = tpu.memref_slice %arg6[%dma_wait3A_554, %dma_wait3A_564] : memref<3x1024xf32, #tpu.memory_space<vmem>> -> memref<1x1024xf32, #tpu.memory_space<vmem>>
        %dma_wait3A_566 = tpu.memref_squeeze %dma_wait3A_565 : memref<1x1024xf32, #tpu.memory_space<vmem>> -> memref<1024xf32, #tpu.memory_space<vmem>>
        tpu.wait_dma2 semaphore(%arg7 : memref<!tpu.dma_semaphore, #tpu.memory_space<semaphore_mem>>) src(%dma_wait3A_566 : memref<1024xf32, #tpu.memory_space<vmem>>) dst(%dma_wait3A_563 : memref<1024xf32, #tpu.memory_space<hbm>>)
        %dma_wait3A_567 = arith.constant 0 : i32
        %dma_wait3A_568 = arith.constant 0 : i32
        %dma_wait3A_569 = tpu.memref_slice %arg6[%dma_wait3A_567, %dma_wait3A_568] : memref<3x1024xf32, #tpu.memory_space<vmem>> -> memref<1x1024xf32, #tpu.memory_space<vmem>>
        %dma_wait3A_570 = tpu.memref_squeeze %dma_wait3A_569 : memref<1x1024xf32, #tpu.memory_space<vmem>> -> memref<1024xf32, #tpu.memory_space<vmem>>
        %dma_wait3A_571 = arith.constant 0 : i32
        %dma_wait3A_572 = tpu.memref_slice %arg4[%mul3A_2, %dma_wait3A_571] : memref<32768x1024xf32, #tpu.memory_space<hbm>> -> memref<1x1024xf32, #tpu.memory_space<hbm>>
        %dma_wait3A_573 = tpu.memref_squeeze %dma_wait3A_572 : memref<1x1024xf32, #tpu.memory_space<hbm>> -> memref<1024xf32, #tpu.memory_space<hbm>>
        %dma_wait3A_574 = arith.constant 0 : i32
        %dma_wait3A_575 = tpu.memref_slice %arg4[%mul3A_2, %dma_wait3A_574] : memref<32768x1024xf32, #tpu.memory_space<hbm>> -> memref<1x1024xf32, #tpu.memory_space<hbm>>
        %dma_wait3A_576 = tpu.memref_squeeze %dma_wait3A_575 : memref<1x1024xf32, #tpu.memory_space<hbm>> -> memref<1024xf32, #tpu.memory_space<hbm>>
        %dma_wait3A_577 = arith.constant 0 : i32
        %dma_wait3A_578 = tpu.memref_slice %arg6[%dma_wait3A_567, %dma_wait3A_577] : memref<3x1024xf32, #tpu.memory_space<vmem>> -> memref<1x1024xf32, #tpu.memory_space<vmem>>
        %dma_wait3A_579 = tpu.memref_squeeze %dma_wait3A_578 : memref<1x1024xf32, #tpu.memory_space<vmem>> -> memref<1024xf32, #tpu.memory_space<vmem>>
        tpu.wait_dma2 semaphore(%arg7 : memref<!tpu.dma_semaphore, #tpu.memory_space<semaphore_mem>>) src(%dma_wait3A_579 : memref<1024xf32, #tpu.memory_space<vmem>>) dst(%dma_wait3A_576 : memref<1024xf32, #tpu.memory_space<hbm>>)
        %dma_wait3A_580 = arith.constant 0 : i32
        %dma_wait3A_581 = arith.constant 0 : i32
        %dma_wait3A_582 = tpu.memref_slice %arg6[%dma_wait3A_580, %dma_wait3A_581] : memref<3x1024xf32, #tpu.memory_space<vmem>> -> memref<1x1024xf32, #tpu.memory_space<vmem>>
        %dma_wait3A_583 = tpu.memref_squeeze %dma_wait3A_582 : memref<1x1024xf32, #tpu.memory_space<vmem>> -> memref<1024xf32, #tpu.memory_space<vmem>>
        %dma_wait3A_584 = arith.constant 0 : i32
        %dma_wait3A_585 = tpu.memref_slice %arg4[%mul3A_2, %dma_wait3A_584] : memref<32768x1024xf32, #tpu.memory_space<hbm>> -> memref<1x1024xf32, #tpu.memory_space<hbm>>
        %dma_wait3A_586 = tpu.memref_squeeze %dma_wait3A_585 : memref<1x1024xf32, #tpu.memory_space<hbm>> -> memref<1024xf32, #tpu.memory_space<hbm>>
        %dma_wait3A_587 = arith.constant 0 : i32
        %dma_wait3A_588 = tpu.memref_slice %arg4[%mul3A_2, %dma_wait3A_587] : memref<32768x1024xf32, #tpu.memory_space<hbm>> -> memref<1x1024xf32, #tpu.memory_space<hbm>>
        %dma_wait3A_589 = tpu.memref_squeeze %dma_wait3A_588 : memref<1x1024xf32, #tpu.memory_space<hbm>> -> memref<1024xf32, #tpu.memory_space<hbm>>
        %dma_wait3A_590 = arith.constant 0 : i32
        %dma_wait3A_591 = tpu.memref_slice %arg6[%dma_wait3A_580, %dma_wait3A_590] : memref<3x1024xf32, #tpu.memory_space<vmem>> -> memref<1x1024xf32, #tpu.memory_space<vmem>>
        %dma_wait3A_592 = tpu.memref_squeeze %dma_wait3A_591 : memref<1x1024xf32, #tpu.memory_space<vmem>> -> memref<1024xf32, #tpu.memory_space<vmem>>
        tpu.wait_dma2 semaphore(%arg7 : memref<!tpu.dma_semaphore, #tpu.memory_space<semaphore_mem>>) src(%dma_wait3A_592 : memref<1024xf32, #tpu.memory_space<vmem>>) dst(%dma_wait3A_589 : memref<1024xf32, #tpu.memory_space<hbm>>)
        %dma_wait3A_593 = arith.constant 0 : i32
        %dma_wait3A_594 = arith.constant 0 : i32
        %dma_wait3A_595 = tpu.memref_slice %arg6[%dma_wait3A_593, %dma_wait3A_594] : memref<3x1024xf32, #tpu.memory_space<vmem>> -> memref<1x1024xf32, #tpu.memory_space<vmem>>
        %dma_wait3A_596 = tpu.memref_squeeze %dma_wait3A_595 : memref<1x1024xf32, #tpu.memory_space<vmem>> -> memref<1024xf32, #tpu.memory_space<vmem>>
        %dma_wait3A_597 = arith.constant 0 : i32
        %dma_wait3A_598 = tpu.memref_slice %arg4[%mul3A_2, %dma_wait3A_597] : memref<32768x1024xf32, #tpu.memory_space<hbm>> -> memref<1x1024xf32, #tpu.memory_space<hbm>>
        %dma_wait3A_599 = tpu.memref_squeeze %dma_wait3A_598 : memref<1x1024xf32, #tpu.memory_space<hbm>> -> memref<1024xf32, #tpu.memory_space<hbm>>
        %dma_wait3A_600 = arith.constant 0 : i32
        %dma_wait3A_601 = tpu.memref_slice %arg4[%mul3A_2, %dma_wait3A_600] : memref<32768x1024xf32, #tpu.memory_space<hbm>> -> memref<1x1024xf32, #tpu.memory_space<hbm>>
        %dma_wait3A_602 = tpu.memref_squeeze %dma_wait3A_601 : memref<1x1024xf32, #tpu.memory_space<hbm>> -> memref<1024xf32, #tpu.memory_space<hbm>>
        %dma_wait3A_603 = arith.constant 0 : i32
        %dma_wait3A_604 = tpu.memref_slice %arg6[%dma_wait3A_593, %dma_wait3A_603] : memref<3x1024xf32, #tpu.memory_space<vmem>> -> memref<1x1024xf32, #tpu.memory_space<vmem>>
        %dma_wait3A_605 = tpu.memref_squeeze %dma_wait3A_604 : memref<1x1024xf32, #tpu.memory_space<vmem>> -> memref<1024xf32, #tpu.memory_space<vmem>>
        tpu.wait_dma2 semaphore(%arg7 : memref<!tpu.dma_semaphore, #tpu.memory_space<semaphore_mem>>) src(%dma_wait3A_605 : memref<1024xf32, #tpu.memory_space<vmem>>) dst(%dma_wait3A_602 : memref<1024xf32, #tpu.memory_space<hbm>>)
        %dma_wait3A_606 = arith.constant 0 : i32
        %dma_wait3A_607 = arith.constant 0 : i32
        %dma_wait3A_608 = tpu.memref_slice %arg6[%dma_wait3A_606, %dma_wait3A_607] : memref<3x1024xf32, #tpu.memory_space<vmem>> -> memref<1x1024xf32, #tpu.memory_space<vmem>>
        %dma_wait3A_609 = tpu.memref_squeeze %dma_wait3A_608 : memref<1x1024xf32, #tpu.memory_space<vmem>> -> memref<1024xf32, #tpu.memory_space<vmem>>
        %dma_wait3A_610 = arith.constant 0 : i32
        %dma_wait3A_611 = tpu.memref_slice %arg4[%mul3A_2, %dma_wait3A_610] : memref<32768x1024xf32, #tpu.memory_space<hbm>> -> memref<1x1024xf32, #tpu.memory_space<hbm>>
        %dma_wait3A_612 = tpu.memref_squeeze %dma_wait3A_611 : memref<1x1024xf32, #tpu.memory_space<hbm>> -> memref<1024xf32, #tpu.memory_space<hbm>>
        %dma_wait3A_613 = arith.constant 0 : i32
        %dma_wait3A_614 = tpu.memref_slice %arg4[%mul3A_2, %dma_wait3A_613] : memref<32768x1024xf32, #tpu.memory_space<hbm>> -> memref<1x1024xf32, #tpu.memory_space<hbm>>
        %dma_wait3A_615 = tpu.memref_squeeze %dma_wait3A_614 : memref<1x1024xf32, #tpu.memory_space<hbm>> -> memref<1024xf32, #tpu.memory_space<hbm>>
        %dma_wait3A_616 = arith.constant 0 : i32
        %dma_wait3A_617 = tpu.memref_slice %arg6[%dma_wait3A_606, %dma_wait3A_616] : memref<3x1024xf32, #tpu.memory_space<vmem>> -> memref<1x1024xf32, #tpu.memory_space<vmem>>
        %dma_wait3A_618 = tpu.memref_squeeze %dma_wait3A_617 : memref<1x1024xf32, #tpu.memory_space<vmem>> -> memref<1024xf32, #tpu.memory_space<vmem>>
        tpu.wait_dma2 semaphore(%arg7 : memref<!tpu.dma_semaphore, #tpu.memory_space<semaphore_mem>>) src(%dma_wait3A_618 : memref<1024xf32, #tpu.memory_space<vmem>>) dst(%dma_wait3A_615 : memref<1024xf32, #tpu.memory_space<hbm>>)
        %dma_wait3A_619 = arith.constant 0 : i32
        %dma_wait3A_620 = arith.constant 0 : i32
        %dma_wait3A_621 = tpu.memref_slice %arg6[%dma_wait3A_619, %dma_wait3A_620] : memref<3x1024xf32, #tpu.memory_space<vmem>> -> memref<1x1024xf32, #tpu.memory_space<vmem>>
        %dma_wait3A_622 = tpu.memref_squeeze %dma_wait3A_621 : memref<1x1024xf32, #tpu.memory_space<vmem>> -> memref<1024xf32, #tpu.memory_space<vmem>>
        %dma_wait3A_623 = arith.constant 0 : i32
        %dma_wait3A_624 = tpu.memref_slice %arg4[%mul3A_2, %dma_wait3A_623] : memref<32768x1024xf32, #tpu.memory_space<hbm>> -> memref<1x1024xf32, #tpu.memory_space<hbm>>
        %dma_wait3A_625 = tpu.memref_squeeze %dma_wait3A_624 : memref<1x1024xf32, #tpu.memory_space<hbm>> -> memref<1024xf32, #tpu.memory_space<hbm>>
        %dma_wait3A_626 = arith.constant 0 : i32
        %dma_wait3A_627 = tpu.memref_slice %arg4[%mul3A_2, %dma_wait3A_626] : memref<32768x1024xf32, #tpu.memory_space<hbm>> -> memref<1x1024xf32, #tpu.memory_space<hbm>>
        %dma_wait3A_628 = tpu.memref_squeeze %dma_wait3A_627 : memref<1x1024xf32, #tpu.memory_space<hbm>> -> memref<1024xf32, #tpu.memory_space<hbm>>
        %dma_wait3A_629 = arith.constant 0 : i32
        %dma_wait3A_630 = tpu.memref_slice %arg6[%dma_wait3A_619, %dma_wait3A_629] : memref<3x1024xf32, #tpu.memory_space<vmem>> -> memref<1x1024xf32, #tpu.memory_space<vmem>>
        %dma_wait3A_631 = tpu.memref_squeeze %dma_wait3A_630 : memref<1x1024xf32, #tpu.memory_space<vmem>> -> memref<1024xf32, #tpu.memory_space<vmem>>
        tpu.wait_dma2 semaphore(%arg7 : memref<!tpu.dma_semaphore, #tpu.memory_space<semaphore_mem>>) src(%dma_wait3A_631 : memref<1024xf32, #tpu.memory_space<vmem>>) dst(%dma_wait3A_628 : memref<1024xf32, #tpu.memory_space<hbm>>)
        %dma_wait3A_632 = arith.constant 0 : i32
        %dma_wait3A_633 = arith.constant 0 : i32
        %dma_wait3A_634 = tpu.memref_slice %arg6[%dma_wait3A_632, %dma_wait3A_633] : memref<3x1024xf32, #tpu.memory_space<vmem>> -> memref<1x1024xf32, #tpu.memory_space<vmem>>
        %dma_wait3A_635 = tpu.memref_squeeze %dma_wait3A_634 : memref<1x1024xf32, #tpu.memory_space<vmem>> -> memref<1024xf32, #tpu.memory_space<vmem>>
        %dma_wait3A_636 = arith.constant 0 : i32
        %dma_wait3A_637 = tpu.memref_slice %arg4[%mul3A_2, %dma_wait3A_636] : memref<32768x1024xf32, #tpu.memory_space<hbm>> -> memref<1x1024xf32, #tpu.memory_space<hbm>>
        %dma_wait3A_638 = tpu.memref_squeeze %dma_wait3A_637 : memref<1x1024xf32, #tpu.memory_space<hbm>> -> memref<1024xf32, #tpu.memory_space<hbm>>
        %dma_wait3A_639 = arith.constant 0 : i32
        %dma_wait3A_640 = tpu.memref_slice %arg4[%mul3A_2, %dma_wait3A_639] : memref<32768x1024xf32, #tpu.memory_space<hbm>> -> memref<1x1024xf32, #tpu.memory_space<hbm>>
        %dma_wait3A_641 = tpu.memref_squeeze %dma_wait3A_640 : memref<1x1024xf32, #tpu.memory_space<hbm>> -> memref<1024xf32, #tpu.memory_space<hbm>>
        %dma_wait3A_642 = arith.constant 0 : i32
        %dma_wait3A_643 = tpu.memref_slice %arg6[%dma_wait3A_632, %dma_wait3A_642] : memref<3x1024xf32, #tpu.memory_space<vmem>> -> memref<1x1024xf32, #tpu.memory_space<vmem>>
        %dma_wait3A_644 = tpu.memref_squeeze %dma_wait3A_643 : memref<1x1024xf32, #tpu.memory_space<vmem>> -> memref<1024xf32, #tpu.memory_space<vmem>>
        tpu.wait_dma2 semaphore(%arg7 : memref<!tpu.dma_semaphore, #tpu.memory_space<semaphore_mem>>) src(%dma_wait3A_644 : memref<1024xf32, #tpu.memory_space<vmem>>) dst(%dma_wait3A_641 : memref<1024xf32, #tpu.memory_space<hbm>>)
        %dma_wait3A_645 = arith.constant 0 : i32
        %dma_wait3A_646 = arith.constant 0 : i32
        %dma_wait3A_647 = tpu.memref_slice %arg6[%dma_wait3A_645, %dma_wait3A_646] : memref<3x1024xf32, #tpu.memory_space<vmem>> -> memref<1x1024xf32, #tpu.memory_space<vmem>>
        %dma_wait3A_648 = tpu.memref_squeeze %dma_wait3A_647 : memref<1x1024xf32, #tpu.memory_space<vmem>> -> memref<1024xf32, #tpu.memory_space<vmem>>
        %dma_wait3A_649 = arith.constant 0 : i32
        %dma_wait3A_650 = tpu.memref_slice %arg4[%mul3A_2, %dma_wait3A_649] : memref<32768x1024xf32, #tpu.memory_space<hbm>> -> memref<1x1024xf32, #tpu.memory_space<hbm>>
        %dma_wait3A_651 = tpu.memref_squeeze %dma_wait3A_650 : memref<1x1024xf32, #tpu.memory_space<hbm>> -> memref<1024xf32, #tpu.memory_space<hbm>>
        %dma_wait3A_652 = arith.constant 0 : i32
        %dma_wait3A_653 = tpu.memref_slice %arg4[%mul3A_2, %dma_wait3A_652] : memref<32768x1024xf32, #tpu.memory_space<hbm>> -> memref<1x1024xf32, #tpu.memory_space<hbm>>
        %dma_wait3A_654 = tpu.memref_squeeze %dma_wait3A_653 : memref<1x1024xf32, #tpu.memory_space<hbm>> -> memref<1024xf32, #tpu.memory_space<hbm>>
        %dma_wait3A_655 = arith.constant 0 : i32
        %dma_wait3A_656 = tpu.memref_slice %arg6[%dma_wait3A_645, %dma_wait3A_655] : memref<3x1024xf32, #tpu.memory_space<vmem>> -> memref<1x1024xf32, #tpu.memory_space<vmem>>
        %dma_wait3A_657 = tpu.memref_squeeze %dma_wait3A_656 : memref<1x1024xf32, #tpu.memory_space<vmem>> -> memref<1024xf32, #tpu.memory_space<vmem>>
        tpu.wait_dma2 semaphore(%arg7 : memref<!tpu.dma_semaphore, #tpu.memory_space<semaphore_mem>>) src(%dma_wait3A_657 : memref<1024xf32, #tpu.memory_space<vmem>>) dst(%dma_wait3A_654 : memref<1024xf32, #tpu.memory_space<hbm>>)
        %dma_wait3A_658 = arith.constant 0 : i32
        %dma_wait3A_659 = arith.constant 0 : i32
        %dma_wait3A_660 = tpu.memref_slice %arg6[%dma_wait3A_658, %dma_wait3A_659] : memref<3x1024xf32, #tpu.memory_space<vmem>> -> memref<1x1024xf32, #tpu.memory_space<vmem>>
        %dma_wait3A_661 = tpu.memref_squeeze %dma_wait3A_660 : memref<1x1024xf32, #tpu.memory_space<vmem>> -> memref<1024xf32, #tpu.memory_space<vmem>>
        %dma_wait3A_662 = arith.constant 0 : i32
        %dma_wait3A_663 = tpu.memref_slice %arg4[%mul3A_2, %dma_wait3A_662] : memref<32768x1024xf32, #tpu.memory_space<hbm>> -> memref<1x1024xf32, #tpu.memory_space<hbm>>
        %dma_wait3A_664 = tpu.memref_squeeze %dma_wait3A_663 : memref<1x1024xf32, #tpu.memory_space<hbm>> -> memref<1024xf32, #tpu.memory_space<hbm>>
        %dma_wait3A_665 = arith.constant 0 : i32
        %dma_wait3A_666 = tpu.memref_slice %arg4[%mul3A_2, %dma_wait3A_665] : memref<32768x1024xf32, #tpu.memory_space<hbm>> -> memref<1x1024xf32, #tpu.memory_space<hbm>>
        %dma_wait3A_667 = tpu.memref_squeeze %dma_wait3A_666 : memref<1x1024xf32, #tpu.memory_space<hbm>> -> memref<1024xf32, #tpu.memory_space<hbm>>
        %dma_wait3A_668 = arith.constant 0 : i32
        %dma_wait3A_669 = tpu.memref_slice %arg6[%dma_wait3A_658, %dma_wait3A_668] : memref<3x1024xf32, #tpu.memory_space<vmem>> -> memref<1x1024xf32, #tpu.memory_space<vmem>>
        %dma_wait3A_670 = tpu.memref_squeeze %dma_wait3A_669 : memref<1x1024xf32, #tpu.memory_space<vmem>> -> memref<1024xf32, #tpu.memory_space<vmem>>
        tpu.wait_dma2 semaphore(%arg7 : memref<!tpu.dma_semaphore, #tpu.memory_space<semaphore_mem>>) src(%dma_wait3A_670 : memref<1024xf32, #tpu.memory_space<vmem>>) dst(%dma_wait3A_667 : memref<1024xf32, #tpu.memory_space<hbm>>)
        %dma_wait3A_671 = arith.constant 0 : i32
        %dma_wait3A_672 = arith.constant 0 : i32
        %dma_wait3A_673 = tpu.memref_slice %arg6[%dma_wait3A_671, %dma_wait3A_672] : memref<3x1024xf32, #tpu.memory_space<vmem>> -> memref<1x1024xf32, #tpu.memory_space<vmem>>
        %dma_wait3A_674 = tpu.memref_squeeze %dma_wait3A_673 : memref<1x1024xf32, #tpu.memory_space<vmem>> -> memref<1024xf32, #tpu.memory_space<vmem>>
        %dma_wait3A_675 = arith.constant 0 : i32
        %dma_wait3A_676 = tpu.memref_slice %arg4[%mul3A_2, %dma_wait3A_675] : memref<32768x1024xf32, #tpu.memory_space<hbm>> -> memref<1x1024xf32, #tpu.memory_space<hbm>>
        %dma_wait3A_677 = tpu.memref_squeeze %dma_wait3A_676 : memref<1x1024xf32, #tpu.memory_space<hbm>> -> memref<1024xf32, #tpu.memory_space<hbm>>
        %dma_wait3A_678 = arith.constant 0 : i32
        %dma_wait3A_679 = tpu.memref_slice %arg4[%mul3A_2, %dma_wait3A_678] : memref<32768x1024xf32, #tpu.memory_space<hbm>> -> memref<1x1024xf32, #tpu.memory_space<hbm>>
        %dma_wait3A_680 = tpu.memref_squeeze %dma_wait3A_679 : memref<1x1024xf32, #tpu.memory_space<hbm>> -> memref<1024xf32, #tpu.memory_space<hbm>>
        %dma_wait3A_681 = arith.constant 0 : i32
        %dma_wait3A_682 = tpu.memref_slice %arg6[%dma_wait3A_671, %dma_wait3A_681] : memref<3x1024xf32, #tpu.memory_space<vmem>> -> memref<1x1024xf32, #tpu.memory_space<vmem>>
        %dma_wait3A_683 = tpu.memref_squeeze %dma_wait3A_682 : memref<1x1024xf32, #tpu.memory_space<vmem>> -> memref<1024xf32, #tpu.memory_space<vmem>>
        tpu.wait_dma2 semaphore(%arg7 : memref<!tpu.dma_semaphore, #tpu.memory_space<semaphore_mem>>) src(%dma_wait3A_683 : memref<1024xf32, #tpu.memory_space<vmem>>) dst(%dma_wait3A_680 : memref<1024xf32, #tpu.memory_space<hbm>>)
        %dma_wait3A_684 = arith.constant 0 : i32
        %dma_wait3A_685 = arith.constant 0 : i32
        %dma_wait3A_686 = tpu.memref_slice %arg6[%dma_wait3A_684, %dma_wait3A_685] : memref<3x1024xf32, #tpu.memory_space<vmem>> -> memref<1x1024xf32, #tpu.memory_space<vmem>>
        %dma_wait3A_687 = tpu.memref_squeeze %dma_wait3A_686 : memref<1x1024xf32, #tpu.memory_space<vmem>> -> memref<1024xf32, #tpu.memory_space<vmem>>
        %dma_wait3A_688 = arith.constant 0 : i32
        %dma_wait3A_689 = tpu.memref_slice %arg4[%mul3A_2, %dma_wait3A_688] : memref<32768x1024xf32, #tpu.memory_space<hbm>> -> memref<1x1024xf32, #tpu.memory_space<hbm>>
        %dma_wait3A_690 = tpu.memref_squeeze %dma_wait3A_689 : memref<1x1024xf32, #tpu.memory_space<hbm>> -> memref<1024xf32, #tpu.memory_space<hbm>>
        %dma_wait3A_691 = arith.constant 0 : i32
        %dma_wait3A_692 = tpu.memref_slice %arg4[%mul3A_2, %dma_wait3A_691] : memref<32768x1024xf32, #tpu.memory_space<hbm>> -> memref<1x1024xf32, #tpu.memory_space<hbm>>
        %dma_wait3A_693 = tpu.memref_squeeze %dma_wait3A_692 : memref<1x1024xf32, #tpu.memory_space<hbm>> -> memref<1024xf32, #tpu.memory_space<hbm>>
        %dma_wait3A_694 = arith.constant 0 : i32
        %dma_wait3A_695 = tpu.memref_slice %arg6[%dma_wait3A_684, %dma_wait3A_694] : memref<3x1024xf32, #tpu.memory_space<vmem>> -> memref<1x1024xf32, #tpu.memory_space<vmem>>
        %dma_wait3A_696 = tpu.memref_squeeze %dma_wait3A_695 : memref<1x1024xf32, #tpu.memory_space<vmem>> -> memref<1024xf32, #tpu.memory_space<vmem>>
        tpu.wait_dma2 semaphore(%arg7 : memref<!tpu.dma_semaphore, #tpu.memory_space<semaphore_mem>>) src(%dma_wait3A_696 : memref<1024xf32, #tpu.memory_space<vmem>>) dst(%dma_wait3A_693 : memref<1024xf32, #tpu.memory_space<hbm>>)
        %dma_wait3A_697 = arith.constant 0 : i32
        %dma_wait3A_698 = arith.constant 0 : i32
        %dma_wait3A_699 = tpu.memref_slice %arg6[%dma_wait3A_697, %dma_wait3A_698] : memref<3x1024xf32, #tpu.memory_space<vmem>> -> memref<1x1024xf32, #tpu.memory_space<vmem>>
        %dma_wait3A_700 = tpu.memref_squeeze %dma_wait3A_699 : memref<1x1024xf32, #tpu.memory_space<vmem>> -> memref<1024xf32, #tpu.memory_space<vmem>>
        %dma_wait3A_701 = arith.constant 0 : i32
        %dma_wait3A_702 = tpu.memref_slice %arg4[%mul3A_2, %dma_wait3A_701] : memref<32768x1024xf32, #tpu.memory_space<hbm>> -> memref<1x1024xf32, #tpu.memory_space<hbm>>
        %dma_wait3A_703 = tpu.memref_squeeze %dma_wait3A_702 : memref<1x1024xf32, #tpu.memory_space<hbm>> -> memref<1024xf32, #tpu.memory_space<hbm>>
        %dma_wait3A_704 = arith.constant 0 : i32
        %dma_wait3A_705 = tpu.memref_slice %arg4[%mul3A_2, %dma_wait3A_704] : memref<32768x1024xf32, #tpu.memory_space<hbm>> -> memref<1x1024xf32, #tpu.memory_space<hbm>>
        %dma_wait3A_706 = tpu.memref_squeeze %dma_wait3A_705 : memref<1x1024xf32, #tpu.memory_space<hbm>> -> memref<1024xf32, #tpu.memory_space<hbm>>
        %dma_wait3A_707 = arith.constant 0 : i32
        %dma_wait3A_708 = tpu.memref_slice %arg6[%dma_wait3A_697, %dma_wait3A_707] : memref<3x1024xf32, #tpu.memory_space<vmem>> -> memref<1x1024xf32, #tpu.memory_space<vmem>>
        %dma_wait3A_709 = tpu.memref_squeeze %dma_wait3A_708 : memref<1x1024xf32, #tpu.memory_space<vmem>> -> memref<1024xf32, #tpu.memory_space<vmem>>
        tpu.wait_dma2 semaphore(%arg7 : memref<!tpu.dma_semaphore, #tpu.memory_space<semaphore_mem>>) src(%dma_wait3A_709 : memref<1024xf32, #tpu.memory_space<vmem>>) dst(%dma_wait3A_706 : memref<1024xf32, #tpu.memory_space<hbm>>)
        %dma_wait3A_710 = arith.constant 0 : i32
        %dma_wait3A_711 = arith.constant 0 : i32
        %dma_wait3A_712 = tpu.memref_slice %arg6[%dma_wait3A_710, %dma_wait3A_711] : memref<3x1024xf32, #tpu.memory_space<vmem>> -> memref<1x1024xf32, #tpu.memory_space<vmem>>
        %dma_wait3A_713 = tpu.memref_squeeze %dma_wait3A_712 : memref<1x1024xf32, #tpu.memory_space<vmem>> -> memref<1024xf32, #tpu.memory_space<vmem>>
        %dma_wait3A_714 = arith.constant 0 : i32
        %dma_wait3A_715 = tpu.memref_slice %arg4[%mul3A_2, %dma_wait3A_714] : memref<32768x1024xf32, #tpu.memory_space<hbm>> -> memref<1x1024xf32, #tpu.memory_space<hbm>>
        %dma_wait3A_716 = tpu.memref_squeeze %dma_wait3A_715 : memref<1x1024xf32, #tpu.memory_space<hbm>> -> memref<1024xf32, #tpu.memory_space<hbm>>
        %dma_wait3A_717 = arith.constant 0 : i32
        %dma_wait3A_718 = tpu.memref_slice %arg4[%mul3A_2, %dma_wait3A_717] : memref<32768x1024xf32, #tpu.memory_space<hbm>> -> memref<1x1024xf32, #tpu.memory_space<hbm>>
        %dma_wait3A_719 = tpu.memref_squeeze %dma_wait3A_718 : memref<1x1024xf32, #tpu.memory_space<hbm>> -> memref<1024xf32, #tpu.memory_space<hbm>>
        %dma_wait3A_720 = arith.constant 0 : i32
        %dma_wait3A_721 = tpu.memref_slice %arg6[%dma_wait3A_710, %dma_wait3A_720] : memref<3x1024xf32, #tpu.memory_space<vmem>> -> memref<1x1024xf32, #tpu.memory_space<vmem>>
        %dma_wait3A_722 = tpu.memref_squeeze %dma_wait3A_721 : memref<1x1024xf32, #tpu.memory_space<vmem>> -> memref<1024xf32, #tpu.memory_space<vmem>>
        tpu.wait_dma2 semaphore(%arg7 : memref<!tpu.dma_semaphore, #tpu.memory_space<semaphore_mem>>) src(%dma_wait3A_722 : memref<1024xf32, #tpu.memory_space<vmem>>) dst(%dma_wait3A_719 : memref<1024xf32, #tpu.memory_space<hbm>>)
        %dma_wait3A_723 = arith.constant 0 : i32
        %dma_wait3A_724 = arith.constant 0 : i32
        %dma_wait3A_725 = tpu.memref_slice %arg6[%dma_wait3A_723, %dma_wait3A_724] : memref<3x1024xf32, #tpu.memory_space<vmem>> -> memref<1x1024xf32, #tpu.memory_space<vmem>>
        %dma_wait3A_726 = tpu.memref_squeeze %dma_wait3A_725 : memref<1x1024xf32, #tpu.memory_space<vmem>> -> memref<1024xf32, #tpu.memory_space<vmem>>
        %dma_wait3A_727 = arith.constant 0 : i32
        %dma_wait3A_728 = tpu.memref_slice %arg4[%mul3A_2, %dma_wait3A_727] : memref<32768x1024xf32, #tpu.memory_space<hbm>> -> memref<1x1024xf32, #tpu.memory_space<hbm>>
        %dma_wait3A_729 = tpu.memref_squeeze %dma_wait3A_728 : memref<1x1024xf32, #tpu.memory_space<hbm>> -> memref<1024xf32, #tpu.memory_space<hbm>>
        %dma_wait3A_730 = arith.constant 0 : i32
        %dma_wait3A_731 = tpu.memref_slice %arg4[%mul3A_2, %dma_wait3A_730] : memref<32768x1024xf32, #tpu.memory_space<hbm>> -> memref<1x1024xf32, #tpu.memory_space<hbm>>
        %dma_wait3A_732 = tpu.memref_squeeze %dma_wait3A_731 : memref<1x1024xf32, #tpu.memory_space<hbm>> -> memref<1024xf32, #tpu.memory_space<hbm>>
        %dma_wait3A_733 = arith.constant 0 : i32
        %dma_wait3A_734 = tpu.memref_slice %arg6[%dma_wait3A_723, %dma_wait3A_733] : memref<3x1024xf32, #tpu.memory_space<vmem>> -> memref<1x1024xf32, #tpu.memory_space<vmem>>
        %dma_wait3A_735 = tpu.memref_squeeze %dma_wait3A_734 : memref<1x1024xf32, #tpu.memory_space<vmem>> -> memref<1024xf32, #tpu.memory_space<vmem>>
        tpu.wait_dma2 semaphore(%arg7 : memref<!tpu.dma_semaphore, #tpu.memory_space<semaphore_mem>>) src(%dma_wait3A_735 : memref<1024xf32, #tpu.memory_space<vmem>>) dst(%dma_wait3A_732 : memref<1024xf32, #tpu.memory_space<hbm>>)
      } else {
      }
    }
    %scan3A_6 = arith.constant 64 : i32
    %dma_wait3A = arith.constant 0 : i32
    %dma_wait3A_7 = arith.constant 0 : i32
    %dma_wait3A_8 = tpu.memref_slice %arg6[%dma_wait3A, %dma_wait3A_7] : memref<3x1024xf32, #tpu.memory_space<vmem>> -> memref<1x1024xf32, #tpu.memory_space<vmem>>
    %dma_wait3A_9 = tpu.memref_squeeze %dma_wait3A_8 : memref<1x1024xf32, #tpu.memory_space<vmem>> -> memref<1024xf32, #tpu.memory_space<vmem>>
    %dma_wait3A_10 = arith.constant 0 : i32
    %dma_wait3A_11 = tpu.memref_slice %arg4[%mul3A_2, %dma_wait3A_10] : memref<32768x1024xf32, #tpu.memory_space<hbm>> -> memref<1x1024xf32, #tpu.memory_space<hbm>>
    %dma_wait3A_12 = tpu.memref_squeeze %dma_wait3A_11 : memref<1x1024xf32, #tpu.memory_space<hbm>> -> memref<1024xf32, #tpu.memory_space<hbm>>
    %dma_wait3A_13 = arith.constant 0 : i32
    %dma_wait3A_14 = tpu.memref_slice %arg4[%mul3A_2, %dma_wait3A_13] : memref<32768x1024xf32, #tpu.memory_space<hbm>> -> memref<1x1024xf32, #tpu.memory_space<hbm>>
    %dma_wait3A_15 = tpu.memref_squeeze %dma_wait3A_14 : memref<1x1024xf32, #tpu.memory_space<hbm>> -> memref<1024xf32, #tpu.memory_space<hbm>>
    %dma_wait3A_16 = arith.constant 0 : i32
    %dma_wait3A_17 = tpu.memref_slice %arg6[%dma_wait3A, %dma_wait3A_16] : memref<3x1024xf32, #tpu.memory_space<vmem>> -> memref<1x1024xf32, #tpu.memory_space<vmem>>
    %dma_wait3A_18 = tpu.memref_squeeze %dma_wait3A_17 : memref<1x1024xf32, #tpu.memory_space<vmem>> -> memref<1024xf32, #tpu.memory_space<vmem>>
    tpu.wait_dma2 semaphore(%arg7 : memref<!tpu.dma_semaphore, #tpu.memory_space<semaphore_mem>>) src(%dma_wait3A_18 : memref<1024xf32, #tpu.memory_space<vmem>>) dst(%dma_wait3A_15 : memref<1024xf32, #tpu.memory_space<hbm>>)
    %dma_wait3A_19 = arith.constant 0 : i32
    %dma_wait3A_20 = arith.constant 0 : i32
    %dma_wait3A_21 = tpu.memref_slice %arg6[%dma_wait3A_19, %dma_wait3A_20] : memref<3x1024xf32, #tpu.memory_space<vmem>> -> memref<1x1024xf32, #tpu.memory_space<vmem>>
    %dma_wait3A_22 = tpu.memref_squeeze %dma_wait3A_21 : memref<1x1024xf32, #tpu.memory_space<vmem>> -> memref<1024xf32, #tpu.memory_space<vmem>>
    %dma_wait3A_23 = arith.constant 0 : i32
    %dma_wait3A_24 = tpu.memref_slice %arg4[%mul3A_2, %dma_wait3A_23] : memref<32768x1024xf32, #tpu.memory_space<hbm>> -> memref<1x1024xf32, #tpu.memory_space<hbm>>
    %dma_wait3A_25 = tpu.memref_squeeze %dma_wait3A_24 : memref<1x1024xf32, #tpu.memory_space<hbm>> -> memref<1024xf32, #tpu.memory_space<hbm>>
    %dma_wait3A_26 = arith.constant 0 : i32
    %dma_wait3A_27 = tpu.memref_slice %arg4[%mul3A_2, %dma_wait3A_26] : memref<32768x1024xf32, #tpu.memory_space<hbm>> -> memref<1x1024xf32, #tpu.memory_space<hbm>>
    %dma_wait3A_28 = tpu.memref_squeeze %dma_wait3A_27 : memref<1x1024xf32, #tpu.memory_space<hbm>> -> memref<1024xf32, #tpu.memory_space<hbm>>
    %dma_wait3A_29 = arith.constant 0 : i32
    %dma_wait3A_30 = tpu.memref_slice %arg6[%dma_wait3A_19, %dma_wait3A_29] : memref<3x1024xf32, #tpu.memory_space<vmem>> -> memref<1x1024xf32, #tpu.memory_space<vmem>>
    %dma_wait3A_31 = tpu.memref_squeeze %dma_wait3A_30 : memref<1x1024xf32, #tpu.memory_space<vmem>> -> memref<1024xf32, #tpu.memory_space<vmem>>
    tpu.wait_dma2 semaphore(%arg7 : memref<!tpu.dma_semaphore, #tpu.memory_space<semaphore_mem>>) src(%dma_wait3A_31 : memref<1024xf32, #tpu.memory_space<vmem>>) dst(%dma_wait3A_28 : memref<1024xf32, #tpu.memory_space<hbm>>)
    %dma_wait3A_32 = arith.constant 0 : i32
    %dma_wait3A_33 = arith.constant 0 : i32
    %dma_wait3A_34 = tpu.memref_slice %arg6[%dma_wait3A_32, %dma_wait3A_33] : memref<3x1024xf32, #tpu.memory_space<vmem>> -> memref<1x1024xf32, #tpu.memory_space<vmem>>
    %dma_wait3A_35 = tpu.memref_squeeze %dma_wait3A_34 : memref<1x1024xf32, #tpu.memory_space<vmem>> -> memref<1024xf32, #tpu.memory_space<vmem>>
    %dma_wait3A_36 = arith.constant 0 : i32
    %dma_wait3A_37 = tpu.memref_slice %arg4[%mul3A_2, %dma_wait3A_36] : memref<32768x1024xf32, #tpu.memory_space<hbm>> -> memref<1x1024xf32, #tpu.memory_space<hbm>>
    %dma_wait3A_38 = tpu.memref_squeeze %dma_wait3A_37 : memref<1x1024xf32, #tpu.memory_space<hbm>> -> memref<1024xf32, #tpu.memory_space<hbm>>
    %dma_wait3A_39 = arith.constant 0 : i32
    %dma_wait3A_40 = tpu.memref_slice %arg4[%mul3A_2, %dma_wait3A_39] : memref<32768x1024xf32, #tpu.memory_space<hbm>> -> memref<1x1024xf32, #tpu.memory_space<hbm>>
    %dma_wait3A_41 = tpu.memref_squeeze %dma_wait3A_40 : memref<1x1024xf32, #tpu.memory_space<hbm>> -> memref<1024xf32, #tpu.memory_space<hbm>>
    %dma_wait3A_42 = arith.constant 0 : i32
    %dma_wait3A_43 = tpu.memref_slice %arg6[%dma_wait3A_32, %dma_wait3A_42] : memref<3x1024xf32, #tpu.memory_space<vmem>> -> memref<1x1024xf32, #tpu.memory_space<vmem>>
    %dma_wait3A_44 = tpu.memref_squeeze %dma_wait3A_43 : memref<1x1024xf32, #tpu.memory_space<vmem>> -> memref<1024xf32, #tpu.memory_space<vmem>>
    tpu.wait_dma2 semaphore(%arg7 : memref<!tpu.dma_semaphore, #tpu.memory_space<semaphore_mem>>) src(%dma_wait3A_44 : memref<1024xf32, #tpu.memory_space<vmem>>) dst(%dma_wait3A_41 : memref<1024xf32, #tpu.memory_space<hbm>>)
    %dma_wait3A_45 = arith.constant 0 : i32
    %dma_wait3A_46 = arith.constant 0 : i32
    %dma_wait3A_47 = tpu.memref_slice %arg6[%dma_wait3A_45, %dma_wait3A_46] : memref<3x1024xf32, #tpu.memory_space<vmem>> -> memref<1x1024xf32, #tpu.memory_space<vmem>>
    %dma_wait3A_48 = tpu.memref_squeeze %dma_wait3A_47 : memref<1x1024xf32, #tpu.memory_space<vmem>> -> memref<1024xf32, #tpu.memory_space<vmem>>
    %dma_wait3A_49 = arith.constant 0 : i32
    %dma_wait3A_50 = tpu.memref_slice %arg4[%mul3A_2, %dma_wait3A_49] : memref<32768x1024xf32, #tpu.memory_space<hbm>> -> memref<1x1024xf32, #tpu.memory_space<hbm>>
    %dma_wait3A_51 = tpu.memref_squeeze %dma_wait3A_50 : memref<1x1024xf32, #tpu.memory_space<hbm>> -> memref<1024xf32, #tpu.memory_space<hbm>>
    %dma_wait3A_52 = arith.constant 0 : i32
    %dma_wait3A_53 = tpu.memref_slice %arg4[%mul3A_2, %dma_wait3A_52] : memref<32768x1024xf32, #tpu.memory_space<hbm>> -> memref<1x1024xf32, #tpu.memory_space<hbm>>
    %dma_wait3A_54 = tpu.memref_squeeze %dma_wait3A_53 : memref<1x1024xf32, #tpu.memory_space<hbm>> -> memref<1024xf32, #tpu.memory_space<hbm>>
    %dma_wait3A_55 = arith.constant 0 : i32
    %dma_wait3A_56 = tpu.memref_slice %arg6[%dma_wait3A_45, %dma_wait3A_55] : memref<3x1024xf32, #tpu.memory_space<vmem>> -> memref<1x1024xf32, #tpu.memory_space<vmem>>
    %dma_wait3A_57 = tpu.memref_squeeze %dma_wait3A_56 : memref<1x1024xf32, #tpu.memory_space<vmem>> -> memref<1024xf32, #tpu.memory_space<vmem>>
    tpu.wait_dma2 semaphore(%arg7 : memref<!tpu.dma_semaphore, #tpu.memory_space<semaphore_mem>>) src(%dma_wait3A_57 : memref<1024xf32, #tpu.memory_space<vmem>>) dst(%dma_wait3A_54 : memref<1024xf32, #tpu.memory_space<hbm>>)
    %dma_wait3A_58 = arith.constant 0 : i32
    %dma_wait3A_59 = arith.constant 0 : i32
    %dma_wait3A_60 = tpu.memref_slice %arg6[%dma_wait3A_58, %dma_wait3A_59] : memref<3x1024xf32, #tpu.memory_space<vmem>> -> memref<1x1024xf32, #tpu.memory_space<vmem>>
    %dma_wait3A_61 = tpu.memref_squeeze %dma_wait3A_60 : memref<1x1024xf32, #tpu.memory_space<vmem>> -> memref<1024xf32, #tpu.memory_space<vmem>>
    %dma_wait3A_62 = arith.constant 0 : i32
    %dma_wait3A_63 = tpu.memref_slice %arg4[%mul3A_2, %dma_wait3A_62] : memref<32768x1024xf32, #tpu.memory_space<hbm>> -> memref<1x1024xf32, #tpu.memory_space<hbm>>
    %dma_wait3A_64 = tpu.memref_squeeze %dma_wait3A_63 : memref<1x1024xf32, #tpu.memory_space<hbm>> -> memref<1024xf32, #tpu.memory_space<hbm>>
    %dma_wait3A_65 = arith.constant 0 : i32
    %dma_wait3A_66 = tpu.memref_slice %arg4[%mul3A_2, %dma_wait3A_65] : memref<32768x1024xf32, #tpu.memory_space<hbm>> -> memref<1x1024xf32, #tpu.memory_space<hbm>>
    %dma_wait3A_67 = tpu.memref_squeeze %dma_wait3A_66 : memref<1x1024xf32, #tpu.memory_space<hbm>> -> memref<1024xf32, #tpu.memory_space<hbm>>
    %dma_wait3A_68 = arith.constant 0 : i32
    %dma_wait3A_69 = tpu.memref_slice %arg6[%dma_wait3A_58, %dma_wait3A_68] : memref<3x1024xf32, #tpu.memory_space<vmem>> -> memref<1x1024xf32, #tpu.memory_space<vmem>>
    %dma_wait3A_70 = tpu.memref_squeeze %dma_wait3A_69 : memref<1x1024xf32, #tpu.memory_space<vmem>> -> memref<1024xf32, #tpu.memory_space<vmem>>
    tpu.wait_dma2 semaphore(%arg7 : memref<!tpu.dma_semaphore, #tpu.memory_space<semaphore_mem>>) src(%dma_wait3A_70 : memref<1024xf32, #tpu.memory_space<vmem>>) dst(%dma_wait3A_67 : memref<1024xf32, #tpu.memory_space<hbm>>)
    %dma_wait3A_71 = arith.constant 0 : i32
    %dma_wait3A_72 = arith.constant 0 : i32
    %dma_wait3A_73 = tpu.memref_slice %arg6[%dma_wait3A_71, %dma_wait3A_72] : memref<3x1024xf32, #tpu.memory_space<vmem>> -> memref<1x1024xf32, #tpu.memory_space<vmem>>
    %dma_wait3A_74 = tpu.memref_squeeze %dma_wait3A_73 : memref<1x1024xf32, #tpu.memory_space<vmem>> -> memref<1024xf32, #tpu.memory_space<vmem>>
    %dma_wait3A_75 = arith.constant 0 : i32
    %dma_wait3A_76 = tpu.memref_slice %arg4[%mul3A_2, %dma_wait3A_75] : memref<32768x1024xf32, #tpu.memory_space<hbm>> -> memref<1x1024xf32, #tpu.memory_space<hbm>>
    %dma_wait3A_77 = tpu.memref_squeeze %dma_wait3A_76 : memref<1x1024xf32, #tpu.memory_space<hbm>> -> memref<1024xf32, #tpu.memory_space<hbm>>
    %dma_wait3A_78 = arith.constant 0 : i32
    %dma_wait3A_79 = tpu.memref_slice %arg4[%mul3A_2, %dma_wait3A_78] : memref<32768x1024xf32, #tpu.memory_space<hbm>> -> memref<1x1024xf32, #tpu.memory_space<hbm>>
    %dma_wait3A_80 = tpu.memref_squeeze %dma_wait3A_79 : memref<1x1024xf32, #tpu.memory_space<hbm>> -> memref<1024xf32, #tpu.memory_space<hbm>>
    %dma_wait3A_81 = arith.constant 0 : i32
    %dma_wait3A_82 = tpu.memref_slice %arg6[%dma_wait3A_71, %dma_wait3A_81] : memref<3x1024xf32, #tpu.memory_space<vmem>> -> memref<1x1024xf32, #tpu.memory_space<vmem>>
    %dma_wait3A_83 = tpu.memref_squeeze %dma_wait3A_82 : memref<1x1024xf32, #tpu.memory_space<vmem>> -> memref<1024xf32, #tpu.memory_space<vmem>>
    tpu.wait_dma2 semaphore(%arg7 : memref<!tpu.dma_semaphore, #tpu.memory_space<semaphore_mem>>) src(%dma_wait3A_83 : memref<1024xf32, #tpu.memory_space<vmem>>) dst(%dma_wait3A_80 : memref<1024xf32, #tpu.memory_space<hbm>>)
    %dma_wait3A_84 = arith.constant 0 : i32
    %dma_wait3A_85 = arith.constant 0 : i32
    %dma_wait3A_86 = tpu.memref_slice %arg6[%dma_wait3A_84, %dma_wait3A_85] : memref<3x1024xf32, #tpu.memory_space<vmem>> -> memref<1x1024xf32, #tpu.memory_space<vmem>>
    %dma_wait3A_87 = tpu.memref_squeeze %dma_wait3A_86 : memref<1x1024xf32, #tpu.memory_space<vmem>> -> memref<1024xf32, #tpu.memory_space<vmem>>
    %dma_wait3A_88 = arith.constant 0 : i32
    %dma_wait3A_89 = tpu.memref_slice %arg4[%mul3A_2, %dma_wait3A_88] : memref<32768x1024xf32, #tpu.memory_space<hbm>> -> memref<1x1024xf32, #tpu.memory_space<hbm>>
    %dma_wait3A_90 = tpu.memref_squeeze %dma_wait3A_89 : memref<1x1024xf32, #tpu.memory_space<hbm>> -> memref<1024xf32, #tpu.memory_space<hbm>>
    %dma_wait3A_91 = arith.constant 0 : i32
    %dma_wait3A_92 = tpu.memref_slice %arg4[%mul3A_2, %dma_wait3A_91] : memref<32768x1024xf32, #tpu.memory_space<hbm>> -> memref<1x1024xf32, #tpu.memory_space<hbm>>
    %dma_wait3A_93 = tpu.memref_squeeze %dma_wait3A_92 : memref<1x1024xf32, #tpu.memory_space<hbm>> -> memref<1024xf32, #tpu.memory_space<hbm>>
    %dma_wait3A_94 = arith.constant 0 : i32
    %dma_wait3A_95 = tpu.memref_slice %arg6[%dma_wait3A_84, %dma_wait3A_94] : memref<3x1024xf32, #tpu.memory_space<vmem>> -> memref<1x1024xf32, #tpu.memory_space<vmem>>
    %dma_wait3A_96 = tpu.memref_squeeze %dma_wait3A_95 : memref<1x1024xf32, #tpu.memory_space<vmem>> -> memref<1024xf32, #tpu.memory_space<vmem>>
    tpu.wait_dma2 semaphore(%arg7 : memref<!tpu.dma_semaphore, #tpu.memory_space<semaphore_mem>>) src(%dma_wait3A_96 : memref<1024xf32, #tpu.memory_space<vmem>>) dst(%dma_wait3A_93 : memref<1024xf32, #tpu.memory_space<hbm>>)
    %dma_wait3A_97 = arith.constant 0 : i32
    %dma_wait3A_98 = arith.constant 0 : i32
    %dma_wait3A_99 = tpu.memref_slice %arg6[%dma_wait3A_97, %dma_wait3A_98] : memref<3x1024xf32, #tpu.memory_space<vmem>> -> memref<1x1024xf32, #tpu.memory_space<vmem>>
    %dma_wait3A_100 = tpu.memref_squeeze %dma_wait3A_99 : memref<1x1024xf32, #tpu.memory_space<vmem>> -> memref<1024xf32, #tpu.memory_space<vmem>>
    %dma_wait3A_101 = arith.constant 0 : i32
    %dma_wait3A_102 = tpu.memref_slice %arg4[%mul3A_2, %dma_wait3A_101] : memref<32768x1024xf32, #tpu.memory_space<hbm>> -> memref<1x1024xf32, #tpu.memory_space<hbm>>
    %dma_wait3A_103 = tpu.memref_squeeze %dma_wait3A_102 : memref<1x1024xf32, #tpu.memory_space<hbm>> -> memref<1024xf32, #tpu.memory_space<hbm>>
    %dma_wait3A_104 = arith.constant 0 : i32
    %dma_wait3A_105 = tpu.memref_slice %arg4[%mul3A_2, %dma_wait3A_104] : memref<32768x1024xf32, #tpu.memory_space<hbm>> -> memref<1x1024xf32, #tpu.memory_space<hbm>>
    %dma_wait3A_106 = tpu.memref_squeeze %dma_wait3A_105 : memref<1x1024xf32, #tpu.memory_space<hbm>> -> memref<1024xf32, #tpu.memory_space<hbm>>
    %dma_wait3A_107 = arith.constant 0 : i32
    %dma_wait3A_108 = tpu.memref_slice %arg6[%dma_wait3A_97, %dma_wait3A_107] : memref<3x1024xf32, #tpu.memory_space<vmem>> -> memref<1x1024xf32, #tpu.memory_space<vmem>>
    %dma_wait3A_109 = tpu.memref_squeeze %dma_wait3A_108 : memref<1x1024xf32, #tpu.memory_space<vmem>> -> memref<1024xf32, #tpu.memory_space<vmem>>
    tpu.wait_dma2 semaphore(%arg7 : memref<!tpu.dma_semaphore, #tpu.memory_space<semaphore_mem>>) src(%dma_wait3A_109 : memref<1024xf32, #tpu.memory_space<vmem>>) dst(%dma_wait3A_106 : memref<1024xf32, #tpu.memory_space<hbm>>)
    %dma_wait3A_110 = arith.constant 0 : i32
    %dma_wait3A_111 = arith.constant 0 : i32
    %dma_wait3A_112 = tpu.memref_slice %arg6[%dma_wait3A_110, %dma_wait3A_111] : memref<3x1024xf32, #tpu.memory_space<vmem>> -> memref<1x1024xf32, #tpu.memory_space<vmem>>
    %dma_wait3A_113 = tpu.memref_squeeze %dma_wait3A_112 : memref<1x1024xf32, #tpu.memory_space<vmem>> -> memref<1024xf32, #tpu.memory_space<vmem>>
    %dma_wait3A_114 = arith.constant 0 : i32
    %dma_wait3A_115 = tpu.memref_slice %arg4[%mul3A_2, %dma_wait3A_114] : memref<32768x1024xf32, #tpu.memory_space<hbm>> -> memref<1x1024xf32, #tpu.memory_space<hbm>>
    %dma_wait3A_116 = tpu.memref_squeeze %dma_wait3A_115 : memref<1x1024xf32, #tpu.memory_space<hbm>> -> memref<1024xf32, #tpu.memory_space<hbm>>
    %dma_wait3A_117 = arith.constant 0 : i32
    %dma_wait3A_118 = tpu.memref_slice %arg4[%mul3A_2, %dma_wait3A_117] : memref<32768x1024xf32, #tpu.memory_space<hbm>> -> memref<1x1024xf32, #tpu.memory_space<hbm>>
    %dma_wait3A_119 = tpu.memref_squeeze %dma_wait3A_118 : memref<1x1024xf32, #tpu.memory_space<hbm>> -> memref<1024xf32, #tpu.memory_space<hbm>>
    %dma_wait3A_120 = arith.constant 0 : i32
    %dma_wait3A_121 = tpu.memref_slice %arg6[%dma_wait3A_110, %dma_wait3A_120] : memref<3x1024xf32, #tpu.memory_space<vmem>> -> memref<1x1024xf32, #tpu.memory_space<vmem>>
    %dma_wait3A_122 = tpu.memref_squeeze %dma_wait3A_121 : memref<1x1024xf32, #tpu.memory_space<vmem>> -> memref<1024xf32, #tpu.memory_space<vmem>>
    tpu.wait_dma2 semaphore(%arg7 : memref<!tpu.dma_semaphore, #tpu.memory_space<semaphore_mem>>) src(%dma_wait3A_122 : memref<1024xf32, #tpu.memory_space<vmem>>) dst(%dma_wait3A_119 : memref<1024xf32, #tpu.memory_space<hbm>>)
    %dma_wait3A_123 = arith.constant 0 : i32
    %dma_wait3A_124 = arith.constant 0 : i32
    %dma_wait3A_125 = tpu.memref_slice %arg6[%dma_wait3A_123, %dma_wait3A_124] : memref<3x1024xf32, #tpu.memory_space<vmem>> -> memref<1x1024xf32, #tpu.memory_space<vmem>>
    %dma_wait3A_126 = tpu.memref_squeeze %dma_wait3A_125 : memref<1x1024xf32, #tpu.memory_space<vmem>> -> memref<1024xf32, #tpu.memory_space<vmem>>
    %dma_wait3A_127 = arith.constant 0 : i32
    %dma_wait3A_128 = tpu.memref_slice %arg4[%mul3A_2, %dma_wait3A_127] : memref<32768x1024xf32, #tpu.memory_space<hbm>> -> memref<1x1024xf32, #tpu.memory_space<hbm>>
    %dma_wait3A_129 = tpu.memref_squeeze %dma_wait3A_128 : memref<1x1024xf32, #tpu.memory_space<hbm>> -> memref<1024xf32, #tpu.memory_space<hbm>>
    %dma_wait3A_130 = arith.constant 0 : i32
    %dma_wait3A_131 = tpu.memref_slice %arg4[%mul3A_2, %dma_wait3A_130] : memref<32768x1024xf32, #tpu.memory_space<hbm>> -> memref<1x1024xf32, #tpu.memory_space<hbm>>
    %dma_wait3A_132 = tpu.memref_squeeze %dma_wait3A_131 : memref<1x1024xf32, #tpu.memory_space<hbm>> -> memref<1024xf32, #tpu.memory_space<hbm>>
    %dma_wait3A_133 = arith.constant 0 : i32
    %dma_wait3A_134 = tpu.memref_slice %arg6[%dma_wait3A_123, %dma_wait3A_133] : memref<3x1024xf32, #tpu.memory_space<vmem>> -> memref<1x1024xf32, #tpu.memory_space<vmem>>
    %dma_wait3A_135 = tpu.memref_squeeze %dma_wait3A_134 : memref<1x1024xf32, #tpu.memory_space<vmem>> -> memref<1024xf32, #tpu.memory_space<vmem>>
    tpu.wait_dma2 semaphore(%arg7 : memref<!tpu.dma_semaphore, #tpu.memory_space<semaphore_mem>>) src(%dma_wait3A_135 : memref<1024xf32, #tpu.memory_space<vmem>>) dst(%dma_wait3A_132 : memref<1024xf32, #tpu.memory_space<hbm>>)
    %dma_wait3A_136 = arith.constant 0 : i32
    %dma_wait3A_137 = arith.constant 0 : i32
    %dma_wait3A_138 = tpu.memref_slice %arg6[%dma_wait3A_136, %dma_wait3A_137] : memref<3x1024xf32, #tpu.memory_space<vmem>> -> memref<1x1024xf32, #tpu.memory_space<vmem>>
    %dma_wait3A_139 = tpu.memref_squeeze %dma_wait3A_138 : memref<1x1024xf32, #tpu.memory_space<vmem>> -> memref<1024xf32, #tpu.memory_space<vmem>>
    %dma_wait3A_140 = arith.constant 0 : i32
    %dma_wait3A_141 = tpu.memref_slice %arg4[%mul3A_2, %dma_wait3A_140] : memref<32768x1024xf32, #tpu.memory_space<hbm>> -> memref<1x1024xf32, #tpu.memory_space<hbm>>
    %dma_wait3A_142 = tpu.memref_squeeze %dma_wait3A_141 : memref<1x1024xf32, #tpu.memory_space<hbm>> -> memref<1024xf32, #tpu.memory_space<hbm>>
    %dma_wait3A_143 = arith.constant 0 : i32
    %dma_wait3A_144 = tpu.memref_slice %arg4[%mul3A_2, %dma_wait3A_143] : memref<32768x1024xf32, #tpu.memory_space<hbm>> -> memref<1x1024xf32, #tpu.memory_space<hbm>>
    %dma_wait3A_145 = tpu.memref_squeeze %dma_wait3A_144 : memref<1x1024xf32, #tpu.memory_space<hbm>> -> memref<1024xf32, #tpu.memory_space<hbm>>
    %dma_wait3A_146 = arith.constant 0 : i32
    %dma_wait3A_147 = tpu.memref_slice %arg6[%dma_wait3A_136, %dma_wait3A_146] : memref<3x1024xf32, #tpu.memory_space<vmem>> -> memref<1x1024xf32, #tpu.memory_space<vmem>>
    %dma_wait3A_148 = tpu.memref_squeeze %dma_wait3A_147 : memref<1x1024xf32, #tpu.memory_space<vmem>> -> memref<1024xf32, #tpu.memory_space<vmem>>
    tpu.wait_dma2 semaphore(%arg7 : memref<!tpu.dma_semaphore, #tpu.memory_space<semaphore_mem>>) src(%dma_wait3A_148 : memref<1024xf32, #tpu.memory_space<vmem>>) dst(%dma_wait3A_145 : memref<1024xf32, #tpu.memory_space<hbm>>)
    %dma_wait3A_149 = arith.constant 0 : i32
    %dma_wait3A_150 = arith.constant 0 : i32
    %dma_wait3A_151 = tpu.memref_slice %arg6[%dma_wait3A_149, %dma_wait3A_150] : memref<3x1024xf32, #tpu.memory_space<vmem>> -> memref<1x1024xf32, #tpu.memory_space<vmem>>
    %dma_wait3A_152 = tpu.memref_squeeze %dma_wait3A_151 : memref<1x1024xf32, #tpu.memory_space<vmem>> -> memref<1024xf32, #tpu.memory_space<vmem>>
    %dma_wait3A_153 = arith.constant 0 : i32
    %dma_wait3A_154 = tpu.memref_slice %arg4[%mul3A_2, %dma_wait3A_153] : memref<32768x1024xf32, #tpu.memory_space<hbm>> -> memref<1x1024xf32, #tpu.memory_space<hbm>>
    %dma_wait3A_155 = tpu.memref_squeeze %dma_wait3A_154 : memref<1x1024xf32, #tpu.memory_space<hbm>> -> memref<1024xf32, #tpu.memory_space<hbm>>
    %dma_wait3A_156 = arith.constant 0 : i32
    %dma_wait3A_157 = tpu.memref_slice %arg4[%mul3A_2, %dma_wait3A_156] : memref<32768x1024xf32, #tpu.memory_space<hbm>> -> memref<1x1024xf32, #tpu.memory_space<hbm>>
    %dma_wait3A_158 = tpu.memref_squeeze %dma_wait3A_157 : memref<1x1024xf32, #tpu.memory_space<hbm>> -> memref<1024xf32, #tpu.memory_space<hbm>>
    %dma_wait3A_159 = arith.constant 0 : i32
    %dma_wait3A_160 = tpu.memref_slice %arg6[%dma_wait3A_149, %dma_wait3A_159] : memref<3x1024xf32, #tpu.memory_space<vmem>> -> memref<1x1024xf32, #tpu.memory_space<vmem>>
    %dma_wait3A_161 = tpu.memref_squeeze %dma_wait3A_160 : memref<1x1024xf32, #tpu.memory_space<vmem>> -> memref<1024xf32, #tpu.memory_space<vmem>>
    tpu.wait_dma2 semaphore(%arg7 : memref<!tpu.dma_semaphore, #tpu.memory_space<semaphore_mem>>) src(%dma_wait3A_161 : memref<1024xf32, #tpu.memory_space<vmem>>) dst(%dma_wait3A_158 : memref<1024xf32, #tpu.memory_space<hbm>>)
    %dma_wait3A_162 = arith.constant 0 : i32
    %dma_wait3A_163 = arith.constant 0 : i32
    %dma_wait3A_164 = tpu.memref_slice %arg6[%dma_wait3A_162, %dma_wait3A_163] : memref<3x1024xf32, #tpu.memory_space<vmem>> -> memref<1x1024xf32, #tpu.memory_space<vmem>>
    %dma_wait3A_165 = tpu.memref_squeeze %dma_wait3A_164 : memref<1x1024xf32, #tpu.memory_space<vmem>> -> memref<1024xf32, #tpu.memory_space<vmem>>
    %dma_wait3A_166 = arith.constant 0 : i32
    %dma_wait3A_167 = tpu.memref_slice %arg4[%mul3A_2, %dma_wait3A_166] : memref<32768x1024xf32, #tpu.memory_space<hbm>> -> memref<1x1024xf32, #tpu.memory_space<hbm>>
    %dma_wait3A_168 = tpu.memref_squeeze %dma_wait3A_167 : memref<1x1024xf32, #tpu.memory_space<hbm>> -> memref<1024xf32, #tpu.memory_space<hbm>>
    %dma_wait3A_169 = arith.constant 0 : i32
    %dma_wait3A_170 = tpu.memref_slice %arg4[%mul3A_2, %dma_wait3A_169] : memref<32768x1024xf32, #tpu.memory_space<hbm>> -> memref<1x1024xf32, #tpu.memory_space<hbm>>
    %dma_wait3A_171 = tpu.memref_squeeze %dma_wait3A_170 : memref<1x1024xf32, #tpu.memory_space<hbm>> -> memref<1024xf32, #tpu.memory_space<hbm>>
    %dma_wait3A_172 = arith.constant 0 : i32
    %dma_wait3A_173 = tpu.memref_slice %arg6[%dma_wait3A_162, %dma_wait3A_172] : memref<3x1024xf32, #tpu.memory_space<vmem>> -> memref<1x1024xf32, #tpu.memory_space<vmem>>
    %dma_wait3A_174 = tpu.memref_squeeze %dma_wait3A_173 : memref<1x1024xf32, #tpu.memory_space<vmem>> -> memref<1024xf32, #tpu.memory_space<vmem>>
    tpu.wait_dma2 semaphore(%arg7 : memref<!tpu.dma_semaphore, #tpu.memory_space<semaphore_mem>>) src(%dma_wait3A_174 : memref<1024xf32, #tpu.memory_space<vmem>>) dst(%dma_wait3A_171 : memref<1024xf32, #tpu.memory_space<hbm>>)
    %dma_wait3A_175 = arith.constant 0 : i32
    %dma_wait3A_176 = arith.constant 0 : i32
    %dma_wait3A_177 = tpu.memref_slice %arg6[%dma_wait3A_175, %dma_wait3A_176] : memref<3x1024xf32, #tpu.memory_space<vmem>> -> memref<1x1024xf32, #tpu.memory_space<vmem>>
    %dma_wait3A_178 = tpu.memref_squeeze %dma_wait3A_177 : memref<1x1024xf32, #tpu.memory_space<vmem>> -> memref<1024xf32, #tpu.memory_space<vmem>>
    %dma_wait3A_179 = arith.constant 0 : i32
    %dma_wait3A_180 = tpu.memref_slice %arg4[%mul3A_2, %dma_wait3A_179] : memref<32768x1024xf32, #tpu.memory_space<hbm>> -> memref<1x1024xf32, #tpu.memory_space<hbm>>
    %dma_wait3A_181 = tpu.memref_squeeze %dma_wait3A_180 : memref<1x1024xf32, #tpu.memory_space<hbm>> -> memref<1024xf32, #tpu.memory_space<hbm>>
    %dma_wait3A_182 = arith.constant 0 : i32
    %dma_wait3A_183 = tpu.memref_slice %arg4[%mul3A_2, %dma_wait3A_182] : memref<32768x1024xf32, #tpu.memory_space<hbm>> -> memref<1x1024xf32, #tpu.memory_space<hbm>>
    %dma_wait3A_184 = tpu.memref_squeeze %dma_wait3A_183 : memref<1x1024xf32, #tpu.memory_space<hbm>> -> memref<1024xf32, #tpu.memory_space<hbm>>
    %dma_wait3A_185 = arith.constant 0 : i32
    %dma_wait3A_186 = tpu.memref_slice %arg6[%dma_wait3A_175, %dma_wait3A_185] : memref<3x1024xf32, #tpu.memory_space<vmem>> -> memref<1x1024xf32, #tpu.memory_space<vmem>>
    %dma_wait3A_187 = tpu.memref_squeeze %dma_wait3A_186 : memref<1x1024xf32, #tpu.memory_space<vmem>> -> memref<1024xf32, #tpu.memory_space<vmem>>
    tpu.wait_dma2 semaphore(%arg7 : memref<!tpu.dma_semaphore, #tpu.memory_space<semaphore_mem>>) src(%dma_wait3A_187 : memref<1024xf32, #tpu.memory_space<vmem>>) dst(%dma_wait3A_184 : memref<1024xf32, #tpu.memory_space<hbm>>)
    %dma_wait3A_188 = arith.constant 0 : i32
    %dma_wait3A_189 = arith.constant 0 : i32
    %dma_wait3A_190 = tpu.memref_slice %arg6[%dma_wait3A_188, %dma_wait3A_189] : memref<3x1024xf32, #tpu.memory_space<vmem>> -> memref<1x1024xf32, #tpu.memory_space<vmem>>
    %dma_wait3A_191 = tpu.memref_squeeze %dma_wait3A_190 : memref<1x1024xf32, #tpu.memory_space<vmem>> -> memref<1024xf32, #tpu.memory_space<vmem>>
    %dma_wait3A_192 = arith.constant 0 : i32
    %dma_wait3A_193 = tpu.memref_slice %arg4[%mul3A_2, %dma_wait3A_192] : memref<32768x1024xf32, #tpu.memory_space<hbm>> -> memref<1x1024xf32, #tpu.memory_space<hbm>>
    %dma_wait3A_194 = tpu.memref_squeeze %dma_wait3A_193 : memref<1x1024xf32, #tpu.memory_space<hbm>> -> memref<1024xf32, #tpu.memory_space<hbm>>
    %dma_wait3A_195 = arith.constant 0 : i32
    %dma_wait3A_196 = tpu.memref_slice %arg4[%mul3A_2, %dma_wait3A_195] : memref<32768x1024xf32, #tpu.memory_space<hbm>> -> memref<1x1024xf32, #tpu.memory_space<hbm>>
    %dma_wait3A_197 = tpu.memref_squeeze %dma_wait3A_196 : memref<1x1024xf32, #tpu.memory_space<hbm>> -> memref<1024xf32, #tpu.memory_space<hbm>>
    %dma_wait3A_198 = arith.constant 0 : i32
    %dma_wait3A_199 = tpu.memref_slice %arg6[%dma_wait3A_188, %dma_wait3A_198] : memref<3x1024xf32, #tpu.memory_space<vmem>> -> memref<1x1024xf32, #tpu.memory_space<vmem>>
    %dma_wait3A_200 = tpu.memref_squeeze %dma_wait3A_199 : memref<1x1024xf32, #tpu.memory_space<vmem>> -> memref<1024xf32, #tpu.memory_space<vmem>>
    tpu.wait_dma2 semaphore(%arg7 : memref<!tpu.dma_semaphore, #tpu.memory_space<semaphore_mem>>) src(%dma_wait3A_200 : memref<1024xf32, #tpu.memory_space<vmem>>) dst(%dma_wait3A_197 : memref<1024xf32, #tpu.memory_space<hbm>>)
    %dma_wait3A_201 = arith.constant 0 : i32
    %dma_wait3A_202 = arith.constant 0 : i32
    %dma_wait3A_203 = tpu.memref_slice %arg6[%dma_wait3A_201, %dma_wait3A_202] : memref<3x1024xf32, #tpu.memory_space<vmem>> -> memref<1x1024xf32, #tpu.memory_space<vmem>>
    %dma_wait3A_204 = tpu.memref_squeeze %dma_wait3A_203 : memref<1x1024xf32, #tpu.memory_space<vmem>> -> memref<1024xf32, #tpu.memory_space<vmem>>
    %dma_wait3A_205 = arith.constant 0 : i32
    %dma_wait3A_206 = tpu.memref_slice %arg4[%mul3A_2, %dma_wait3A_205] : memref<32768x1024xf32, #tpu.memory_space<hbm>> -> memref<1x1024xf32, #tpu.memory_space<hbm>>
    %dma_wait3A_207 = tpu.memref_squeeze %dma_wait3A_206 : memref<1x1024xf32, #tpu.memory_space<hbm>> -> memref<1024xf32, #tpu.memory_space<hbm>>
    %dma_wait3A_208 = arith.constant 0 : i32
    %dma_wait3A_209 = tpu.memref_slice %arg4[%mul3A_2, %dma_wait3A_208] : memref<32768x1024xf32, #tpu.memory_space<hbm>> -> memref<1x1024xf32, #tpu.memory_space<hbm>>
    %dma_wait3A_210 = tpu.memref_squeeze %dma_wait3A_209 : memref<1x1024xf32, #tpu.memory_space<hbm>> -> memref<1024xf32, #tpu.memory_space<hbm>>
    %dma_wait3A_211 = arith.constant 0 : i32
    %dma_wait3A_212 = tpu.memref_slice %arg6[%dma_wait3A_201, %dma_wait3A_211] : memref<3x1024xf32, #tpu.memory_space<vmem>> -> memref<1x1024xf32, #tpu.memory_space<vmem>>
    %dma_wait3A_213 = tpu.memref_squeeze %dma_wait3A_212 : memref<1x1024xf32, #tpu.memory_space<vmem>> -> memref<1024xf32, #tpu.memory_space<vmem>>
    tpu.wait_dma2 semaphore(%arg7 : memref<!tpu.dma_semaphore, #tpu.memory_space<semaphore_mem>>) src(%dma_wait3A_213 : memref<1024xf32, #tpu.memory_space<vmem>>) dst(%dma_wait3A_210 : memref<1024xf32, #tpu.memory_space<hbm>>)
    return
  }
}

</mosaic_0001>

<sc_bundles>
// kernel: kernel.3.cloned.1.call-start
scs
__scs_entry_jumppad:
0x0: {  	(pc) =	sbr.rel $0x88, $3  }
0x1: {  	(tag) =	ssettag $0x0;
	lr =	simm.s32 $0x1  }
0x2: {  	[smem:$0x3F9F] =	sst lr;
	_ =	strace $0xD0000000  }
0x3: {  	_ = 	snop  }
0x4: {  	_ = 	snop  }
0x5: {  	_ = 	snop  }
0x6: {  	_ = 	snop  }
0x7: {  	_ = 	snop  }
__scs_overlays_trampoline_lowered:
0x8: {  	[smem:$0x3FAE] =	sst s0  }
0x9: {  	[smem:$0x3FAF] =	sst s1  }
0xa: {  	[smem:$0x3FB0] =	sst s2  }
0xb: {  	[smem:$0x3FB1] =	sst s3  }
0xc: {  	[smem:$0x3FB2] =	sst s4  }
0xd: {  	[smem:$0x3FB3] =	sst s5  }
0xe: {  	[smem:$0x3FB4] =	sst s6  }
0xf: {  	[smem:$0x3FB5] =	sst s7  }
0x10: {  	[smem:$0x3FB6] =	sst s8  }
0x11: {  	[smem:$0x3FB7] =	sst s9;
	s0 =	simm.s32 @!p0 $0x0  }
0x12: {  	s1 =	sld [smem:$0x3F9D];
	s0 =	simm.s32 @p0 $0x1  }
0x13: {  	[smem:$0x3FB8] =	sst s0;
	s0 =	simm.s32 @!p1 $0x0  }
0x14: {  	s2 =	sld [smem:$0x3F9C];
	s0 =	simm.s32 @p1 $0x1  }
0x15: {  	[smem:$0x3FB9] =	sst s0;
	s0 =	simm.s32 @!p2 $0x0  }
0x16: {  	s3 =	sld [smem:$0x3FDB];
	s0 =	simm.s32 @p2 $0x1  }
0x17: {  	s4 =	simm.s32 $0x1BF5;
	[smem:$0x3FBB] =	sst s0  }
0x18: {  	s0 =	sld [smem:$0x3F9E];
	_ =	swait.ge [sflag:s4], $0x0  }
0x19: {  	s7 =	sld [smem:$0x3F9F]  }
0x1a: {  	s8 =	sadd.s32 $0xFFFFE003, lr  }
0x1b: {  	s9 =	sadd.s32 $0xFFFFFEF7, lr;
	s5 =	simm.s32 $0xFFFFFFFF;
	p2 =	slt.u32 s8, $0xFFFFF086  }
0x1c: {  	p1 =	slt.u32 s9, $0xF7A;
	s5 =	simm.s32 @!p2 $0x0  }
0x1d: {  	s5 =	simm.s32 @p1 $0x1;
	p0 =	seq.s32 s7, s2  }
0x1e: {  	s7 =	smul.u32 @!p0 $0xF7A, s2;
	p2 =	seq.s32 @!p0 s5, $0x0  }
0x1f: {  	s9 =	smul.u32 $0xF7A, s1;
	s8 =	simm.s32 @!p0 $0x1BF5;
	p2 =	por !p2, p0  }
0x20: {  	[sflag:s8] =	ssyncset.s32 @!p0 $0xFFFFF086;
	s6 =	sadd.s32 @!p0 s3, s7;
	s7 =	simm.s32 @!p0 $0x108  }
0x21: {  	s3 =	sadd.s32 s3, s9;
	s6 =	sadd.s32 @!p0 $0x88, s6;
	s7 =	simm.s32 @p2 $0x1082  }
0x22: {  	[simem:s7], [sflag:s8] =	dma.local @!p0 [hbm:s6], $0xF7A  }
0x23: {  	s9 =	sor.u32 $0xD0000000, s2;
	s6 =	simm.s32 $0x108;
	_ =	swait.ge @!p0 [sflag:s8], $0x0  }
0x24: {  	s3 =	sadd.s32 $0x88, s3;
	s6 =	simm.s32 @!p1 $0x1082;
	[sflag:s4] =	ssyncset.s32 $0xFFFFF086  }
0x25: {  	[simem:s6], [sflag:s4] =	dma.local [hbm:s3], $0xF7A  }
0x26: {  	[smem:$0x3F9F] =	sst s1;
	(tag) =	ssettag s2;
	_ =	strace s9  }
0x27: {  	s1 =	sld [smem:$0x3FAF]  }
0x28: {  	s2 =	sld [smem:$0x3FB0]  }
0x29: {  	s4 =	sld [smem:$0x3FB2]  }
0x2a: {  	p0 =	seq.s32 s5, $0x0;
	s5 =	sld [smem:$0x3FB3]  }
0x2b: {  	s6 =	sld [smem:$0x3FB4]  }
0x2c: {  	s7 =	sld [smem:$0x3FB5]  }
0x2d: {  	s3 =	simm.s32 $0x108;
	s8 =	sld [smem:$0x3FB6]  }
0x2e: {  	s3 =	simm.s32 @!p0 $0x1082;
	s9 =	sld [smem:$0x3FB7]  }
0x2f: {  	lr =	sadd.s32 s0, s3;
	s0 =	sld [smem:$0x3FAE]  }
0x30: {  	s3 =	sld [smem:$0x3FB1]  }
0x31: {  	[smem:$0x3FBA] =	sst s10  }
0x32: {  	s10 =	sld [smem:$0x3FB8];
	_ =	sdelay $0x3  }
0x33: {  	p0 =	seq.s32 s10, $0x1;
	s10 =	sld [smem:$0x3FBA];
	_ =	sdelay $0x3  }
0x34: {  	[smem:$0x3FBA] =	sst s10  }
0x35: {  	s10 =	sld [smem:$0x3FB9];
	_ =	sdelay $0x3  }
0x36: {  	p1 =	seq.s32 s10, $0x1;
	s10 =	sld [smem:$0x3FBA];
	_ =	sdelay $0x3  }
0x37: {  	[smem:$0x3FBA] =	sst s10  }
0x38: {  	s10 =	sld [smem:$0x3FBB]  }
0x39: {  	_ = 	snop;
	(pc) =	sbr.ind lr, $3  }
0x3a: {  	_ = 	snop  }
0x3b: {  	_ = 	snop  }
0x3c: {  	p2 =	seq.s32 s10, $0x1;
	s10 =	sld [smem:$0x3FBA]  }
0x3d: {  	_ =	shalt  }
0x3e: {  	_ =	shalt  }
0x3f: {  	_ =	shalt  }
0x40: {  	_ =	shalt  }
0x41: {  	_ =	shalt  }
0x42: {  	_ =	shalt  }
0x43: {  	_ =	shalt  }
0x44: {  	_ =	shalt  }
0x45: {  	_ =	shalt  }
0x46: {  	_ =	shalt  }
0x47: {  	_ =	shalt  }
0x48: {  	_ =	shalt  }
0x49: {  	_ =	shalt  }
0x4a: {  	_ =	shalt  }
0x4b: {  	_ =	shalt  }
0x4c: {  	_ =	shalt  }
0x4d: {  	_ =	shalt  }
0x4e: {  	_ =	shalt  }
0x4f: {  	_ =	shalt  }
0x50: {  	_ =	shalt  }
0x51: {  	_ =	shalt  }
0x52: {  	_ =	shalt  }
0x53: {  	_ =	shalt  }
0x54: {  	_ =	shalt  }
0x55: {  	_ =	shalt  }
0x56: {  	_ =	shalt  }
0x57: {  	_ =	shalt  }
0x58: {  	_ =	shalt  }
0x59: {  	_ =	shalt  }
0x5a: {  	_ =	shalt  }
0x5b: {  	_ =	shalt  }
0x5c: {  	_ =	shalt  }
0x5d: {  	_ =	shalt  }
0x5e: {  	_ =	shalt  }
0x5f: {  	_ =	shalt  }
0x60: {  	_ =	shalt  }
0x61: {  	_ =	shalt  }
0x62: {  	_ =	shalt  }
0x63: {  	_ =	shalt  }
0x64: {  	_ =	shalt  }
0x65: {  	_ =	shalt  }
0x66: {  	_ =	shalt  }
0x67: {  	_ =	shalt  }
0x68: {  	_ =	shalt  }
0x69: {  	_ =	shalt  }
0x6a: {  	_ =	shalt  }
0x6b: {  	_ =	shalt  }
0x6c: {  	_ =	shalt  }
0x6d: {  	_ =	shalt  }
0x6e: {  	_ =	shalt  }
0x6f: {  	_ =	shalt  }
0x70: {  	_ =	shalt  }
0x71: {  	_ =	shalt  }
0x72: {  	_ =	shalt  }
0x73: {  	_ =	shalt  }
0x74: {  	_ =	shalt  }
0x75: {  	_ =	shalt  }
0x76: {  	_ =	shalt  }
0x77: {  	_ =	shalt  }
0x78: {  	_ =	shalt  }
0x79: {  	_ =	shalt  }
0x7a: {  	_ =	shalt  }
0x7b: {  	_ =	shalt  }
0x7c: {  	_ =	shalt  }
0x7d: {  	_ =	shalt  }
0x7e: {  	_ =	shalt  }
0x7f: {  	_ =	shalt  }
0x80: {  	_ =	shalt  }
0x81: {  	_ =	shalt  }
0x82: {  	_ =	shalt  }
0x83: {  	_ =	shalt  }
0x84: {  	_ =	shalt  }
0x85: {  	_ =	shalt  }
0x86: {  	_ =	shalt  }
0x87: {  	_ =	shalt  }
.Lfunc_end0:
.L_simem_size_0:
called_computation_lowered:
.L_overlay_start_0:
0x88: {  	s2 =	sld [smem:$0x3FD9]  }
0x89: {  	s3 =	sld [smem:$0x3FFE];
	_ =	sdelay $0x1  }
0x8a: {  	s1 =	srdreg.scid  }
0x8b: {  	s0 =	sand.u32 $0x1, s1  }
0x8c: {  	s17 =	sshll.u32 s0, $0xA;
	s2 =	sadd.s32 s3, s2  }
0x8d: {  	s2 =	sadd.s32 s2, s17  }
0x8e: {  	[smem:$0x3FC6] =	sst s2  }
0x8f: {  	_ = 	snop  }
0x90: {  	s2 =	sld [smem:$0x3FC8]  }
0x91: {  	s18 =	sld [smem:$0x3FD0];
	(tm) =	ssettm $0x1  }
0x92: {  	s4 =	sld [smem:$0x3FFB];
	_ =	sdelay $0x3  }
0x93: {  	_ =	strace s4  }
0x94: {  	s4 =	sld [smem:$0x3FFC];
	_ =	sdelay $0x3  }
0x95: {  	_ =	strace s4  }
0x96: {  	s4 =	sld [smem:$0x3FFD];
	_ =	sdelay $0x3  }
0x97: {  	_ =	strace s4  }
0x98: {  	_ =	strace $0x8FFFFFFF  }
0x99: {  	s19 =	sld [smem:$0x3FDB];
	_ =	sdelay $0x1  }
0x9a: {  	s5 =	simm.s32 $_scs_section_size  }
0x9b: {  	s6 =	simm.s32 $_size__tile_overlayer_lowered;
	s7 =	simm.s32 $_tile_overlayer_lowered  }
0x9c: {  	s22 =	simm.s32 $0x1BFF;
	s21 =	sshll.u32 s7, $0x1;
	s4 =	sadd.s32 s5, s19  }
0x9d: {  	s8 =	simm.s32 $0x0;
	s20 =	sshll.u32 s6, $0x1;
	s6 =	sadd.s32 s21, s4  }
0x9e: {  	[timem:s8], [sflag:s22] =	dma.local [hbm:s6], s20  }
0x9f: {  	_ =	swait.ge [sflag:s22], s20  }
0xa0: {  	s5 =	ssub.s32 $0x0, s20;
	[sflag:s22] =	ssyncset.done $0x0  }
0xa1: {  	[sflag:s22] =	ssyncadd.s32 s5;
	_ =	sdelay $0x1  }
0xa2: {  	s23 =	simm.s32 $0x1B8B  }
0xa3: {  	_ =	swait.ge [sflag:s23], $0x1  }
0xa4: {  	[sflag:s23] =	ssyncset.done $0x0  }
0xa5: {  	s25 =	simm.s32 $0x1B8E;
	s24 =	sld [smem:$0x3FFE];
	[sflag:s23] =	ssyncadd.s32 $0xFFFFFFFF  }
0xa6: {  	s26 =	simm.s32 $execute0_lowered;
	[smem:$0x3FD2] =	sst s25  }
0xa7: {  	s6 =	sshll.u32 s26, $0x1;
	_ =	strace $0x80000046;
	[dreg:$0x1] =	wrdreg $0xFFFFFFFF  }
0xa8: {  	s28 =	simm.s32 $_size_execute0_lowered;
	s4 =	sadd.s32 s4, s6;
	[dreg:$0x0] =	wrdreg $0x0  }
0xa9: {  	s6 =	sshll.u32 s28, $0x1;
	[dreg:$0x2] =	wrdreg s4  }
0xaa: {  	[dreg:$0x3] =	wrdreg s6  }
0xab: {  	[dreg:$0x4] =	wrdreg $0xC0  }
0xac: {  	_ =	task [dreg:s8], $0x5FFFF  }
0xad: {  	[dreg:$0x1] =	wrdreg $0xFFFFFFFF  }
0xae: {  	[dreg:$0x0] =	wrdreg $0x60  }
0xaf: {  	[dreg:$0x2] =	wrdreg s24  }
0xb0: {  	[dreg:$0x3] =	wrdreg s2  }
0xb1: {  	[dreg:$0x4] =	wrdreg s18  }
0xb2: {  	[dreg:$0x5] =	wrdreg $0x9  }
0xb3: {  	_ =	task.clear_ibuf [dreg:s8], $0x6FFFF;
	_ =	strace $0x90000046  }
0xb4: {  	s29 =	simm.s32 $0x9;
	_ =	strace $0x80000048  }
0xb5: {  	_ =	swait.ge [sflag:s29], $0x1  }
0xb6: {  	[sflag:s29] =	ssyncadd.s32 $0xFFFFFFFF  }
0xb7: {  	_ =	strace $0x90000048  }
0xb8: {  	_ =	sfence  }
0xb9: {  	s30 =	sld [smem:$0x0];
	_ =	sdelay $0x2  }
0xba: {  	s31 =	sshll.u32 s1, $0xD;
	s1 =	sshrl.u32 s1, $0x2  }
0xbb: {  	s3 =	sand.u32 $0x4000, s31;
	s1 =	sadd.s32 s1, s30  }
0xbc: {  	s0 =	sor.u32 s3, s0;
	s1 =	sshll.u32 s1, $0x11  }
0xbd: {  	s0 =	sor.u32 s1, s0  }
0xbe: {  	s0 =	sadd.s32 $0x8F2B, s0  }
0xbf: {  	[sflag:s0] =	ssyncadd.remote.s32 $0x1  }
0xc0: {  	_ =	sfence.sel $0xFFFF  }
0xc1: {  	[dreg:$0x0] =	wrdreg $0xFFFFFFFF;
	(pc) =	sbr.abs _section_cstart, $3  }
0xc2: {  	[dreg:$0x1] =	wrdreg $0xFFFFFFFF  }
0xc3: {  	_ =	task.clear_ibuf [dreg:s8], $0x2FFFF;
	_ =	strace $0x9FFFFFFF  }
0xc4: {  	(tm) =	ssettm $0x7FFFFFFF  }
0xc5: {  	_ =	shalt  }
tec
execute0_lowered:
.L_overlay_start_1:
0x0: {  	(tag) =	ssettag $0x1  }
0x1: {  	s4 =	rddreg [dreg:$0x0]  }
0x2: {  	s2 =	rddreg [dreg:$0x1]  }
0x3: {  	s5 =	rddreg [dreg:$0x2]  }
0x4: {  	s3 =	srdreg.scid;
	s0 =	rddreg [dreg:$0x3]  }
0x5: {  	s1 =	stileid.u32;
	s6 =	sand.u32 $0x1, s3;
	s3 =	simm.s32 $0x0  }
0x6: {  	s7 =	sshll.u32 s1, $0xB;
	s31 =	sshll.u32 s1, $0x12;
	s8 =	sshll.u32 s6, $0xA  }
0x7: {  	[smem:$0x7FF] =	sst s3;
	s30 =	ssub.s32 $0x2, s6;
	s5 =	sadd.s32 s31, s5  }
0x8: {  	s6 =	sshll.u32 s6, $0x11;
	s7 =	sor.u32 s8, s7;
	_ =	strace $0x80000047  }
0x9: {  	s9 =	sshrl.u32 s30, $0x1;
	s6 =	sadd.s32 s6, s5;
	s8 =	simm.s32 $0x1  }
0xa: {  	s7 =	sshrl.u32 s7, $0x3;
	[dreg:$0x4] =	wrdreg s6;
	s6 =	simm.s32 $0x400  }
0xb: {  	s4 =	sadd.s32 s7, s4;
	s7 =	ssub.s32 s30, s9;
	s9 =	simm.s32 $0x0  }
0xc: {  	s4 =	sadd.s32 $0x400, s4;
	s5 =	smax.u32 s7, $0x1;
	s7 =	simm.s32 $0x2  }
.LBB2_1:
0xd: {  	[tilespmem:s6], [sflag:$0x2] =	stream.linear.gather [hbm4b:s2+s3], $0x1000, $0x38;
	[tilespmem:$0x1400] =	vst v63  }
0xe: {  	_ =	swait.ge [sflag:s7], $0x1000  }
0xf: {  	[sflag:s7] =	ssyncset.done $0x0  }
0x10: {  	[sflag:s7] =	ssyncadd.s32 $0xFFFFF000  }
0x11: {  	[tilespmem:s3], [sflag:$0x2] =	stream.linear.gather [hbm4b:s4+s3], $0x400, $0x38;
	[tilespmem:$0x1400] =	vst v63  }
0x12: {  	_ =	swait.ge [sflag:s7], $0x400  }
0x13: {  	[sflag:s7] =	ssyncset.done $0x0  }
0x14: {  	s10 =	simm.s32 $0x0;
	s11 =	simm.s32 $0x0;
	[sflag:s7] =	ssyncadd.s32 $0xFFFFFC00  }
.LBB2_2:
0x15: {  	v0 =	vld [tilespmem:s10+$0x0];
	_ =	sdelay $0x4  }
0x16: {  	(v2sf) =	vpush v0, $0x0;
	_ =	sdelay $0xe  }
0x17: {  	s12 =	spop (v2sf)  }
0x18: {  	(v2sf) =	vpush v0, $0x1;
	s14 =	sshll.u32 s12, $0xA;
	s12 =	sshll.u32 s12, $0x7  }
0x19: {  	s14 =	sand.u32 $0xFFFFF000, s14;
	s12 =	sand.u32 $0x180, s12  }
0x1a: {  	s13 =	rddreg [dreg:$0x4];
	s14 =	sor.u32 s12, s14  }
0x1b: {  	s12 =	sadd.s32 s11, s13;
	s17 =	sor.u32 $0x400, s14  }
0x1c: {  	[hbm4b:s12+s3] =	stream.linear.scatter [tilespmem:s17], [sflag:$0x1], $0x80, $0x38;
	[tilespmem:$0x1400] =	vst v63  }
0x1d: {  	s18 =	sor.u32 $0x600, s14;
	s15 =	sadd.s32 $0x80, s12  }
0x1e: {  	[hbm4b:s15+s3] =	stream.linear.scatter [tilespmem:s18], [sflag:$0x1], $0x80, $0x38;
	[tilespmem:$0x1400] =	vst v63  }
0x1f: {  	s19 =	sor.u32 $0x800, s14;
	s20 =	sadd.s32 $0x100, s12  }
0x20: {  	[hbm4b:s20+s3] =	stream.linear.scatter [tilespmem:s19], [sflag:$0x1], $0x80, $0x38;
	[tilespmem:$0x1400] =	vst v63  }
0x21: {  	s21 =	sor.u32 $0xA00, s14;
	s22 =	sadd.s32 $0x180, s12  }
0x22: {  	[hbm4b:s22+s3] =	stream.linear.scatter [tilespmem:s21], [sflag:$0x1], $0x80, $0x38;
	[tilespmem:$0x1400] =	vst v63  }
0x23: {  	s23 =	sor.u32 $0xC00, s14;
	s24 =	sadd.s32 $0x200, s12  }
0x24: {  	[hbm4b:s24+s3] =	stream.linear.scatter [tilespmem:s23], [sflag:$0x1], $0x80, $0x38;
	[tilespmem:$0x1400] =	vst v63  }
0x25: {  	s25 =	sor.u32 $0xE00, s14;
	s26 =	sadd.s32 $0x280, s12  }
0x26: {  	[hbm4b:s26+s3] =	stream.linear.scatter [tilespmem:s25], [sflag:$0x1], $0x80, $0x38;
	[tilespmem:$0x1400] =	vst v63  }
0x27: {  	s28 =	sadd.s32 $0x1000, s14;
	s30 =	sadd.s32 $0x1200, s14;
	s14 =	spop (v2sf)  }
0x28: {  	s29 =	sadd.s32 $0x300, s12;
	s15 =	sshll.u32 s14, $0xA;
	s13 =	sshll.u32 s14, $0x7  }
0x29: {  	[hbm4b:s29+s3] =	stream.linear.scatter [tilespmem:s28], [sflag:$0x1], $0x80, $0x38;
	[tilespmem:$0x1400] =	vst v63  }
0x2a: {  	s14 =	sand.u32 $0xFFFFF000, s15;
	s13 =	sand.u32 $0x180, s13  }
0x2b: {  	s31 =	sadd.s32 $0x380, s12;
	s13 =	sor.u32 s13, s14  }
0x2c: {  	(v2sf) =	vpush v0, $0x2;
	[hbm4b:s31+s3] =	stream.linear.scatter [tilespmem:s30], [sflag:$0x1], $0x80, $0x38;
	[tilespmem:$0x1400] =	vst v63  }
0x2d: {  	s16 =	sadd.s32 $0x10, s12;
	s17 =	sor.u32 $0x400, s13  }
0x2e: {  	[hbm4b:s16+s3] =	stream.linear.scatter [tilespmem:s17], [sflag:$0x1], $0x80, $0x38;
	[tilespmem:$0x1400] =	vst v63  }
0x2f: {  	s19 =	sadd.s32 $0x90, s12;
	s18 =	sor.u32 $0x600, s13  }
0x30: {  	[hbm4b:s19+s3] =	stream.linear.scatter [tilespmem:s18], [sflag:$0x1], $0x80, $0x38;
	[tilespmem:$0x1400] =	vst v63  }
0x31: {  	s21 =	sadd.s32 $0x110, s12;
	s20 =	sor.u32 $0x800, s13  }
0x32: {  	[hbm4b:s21+s3] =	stream.linear.scatter [tilespmem:s20], [sflag:$0x1], $0x80, $0x38;
	[tilespmem:$0x1400] =	vst v63  }
0x33: {  	s23 =	sadd.s32 $0x190, s12;
	s22 =	sor.u32 $0xA00, s13  }
0x34: {  	[hbm4b:s23+s3] =	stream.linear.scatter [tilespmem:s22], [sflag:$0x1], $0x80, $0x38;
	[tilespmem:$0x1400] =	vst v63  }
0x35: {  	s25 =	sadd.s32 $0x210, s12;
	s24 =	sor.u32 $0xC00, s13  }
0x36: {  	[hbm4b:s25+s3] =	stream.linear.scatter [tilespmem:s24], [sflag:$0x1], $0x80, $0x38;
	[tilespmem:$0x1400] =	vst v63  }
0x37: {  	s28 =	sadd.s32 $0x290, s12;
	s26 =	sor.u32 $0xE00, s13  }
0x38: {  	[hbm4b:s28+s3] =	stream.linear.scatter [tilespmem:s26], [sflag:$0x1], $0x80, $0x38;
	[tilespmem:$0x1400] =	vst v63  }
0x39: {  	s29 =	sadd.s32 $0x1000, s13;
	s30 =	sadd.s32 $0x310, s12  }
0x3a: {  	[hbm4b:s30+s3] =	stream.linear.scatter [tilespmem:s29], [sflag:$0x1], $0x80, $0x38;
	[tilespmem:$0x1400] =	vst v63  }
0x3b: {  	s13 =	sadd.s32 $0x1200, s13;
	s31 =	sadd.s32 $0x390, s12;
	s14 =	spop (v2sf)  }
0x3c: {  	[hbm4b:s31+s3] =	stream.linear.scatter [tilespmem:s13], [sflag:$0x1], $0x80, $0x38;
	[tilespmem:$0x1400] =	vst v63  }
0x3d: {  	s15 =	sshll.u32 s14, $0xA;
	s13 =	sshll.u32 s14, $0x7  }
0x3e: {  	s14 =	sand.u32 $0xFFFFF000, s15;
	s13 =	sand.u32 $0x180, s13  }
0x3f: {  	(v2sf) =	vpush v0, $0x3;
	s13 =	sor.u32 s13, s14  }
0x40: {  	s16 =	sadd.s32 $0x20, s12;
	s17 =	sor.u32 $0x400, s13  }
0x41: {  	[hbm4b:s16+s3] =	stream.linear.scatter [tilespmem:s17], [sflag:$0x1], $0x80, $0x38;
	[tilespmem:$0x1400] =	vst v63  }
0x42: {  	s19 =	sadd.s32 $0xA0, s12;
	s18 =	sor.u32 $0x600, s13  }
0x43: {  	[hbm4b:s19+s3] =	stream.linear.scatter [tilespmem:s18], [sflag:$0x1], $0x80, $0x38;
	[tilespmem:$0x1400] =	vst v63  }
0x44: {  	s21 =	sadd.s32 $0x120, s12;
	s20 =	sor.u32 $0x800, s13  }
0x45: {  	[hbm4b:s21+s3] =	stream.linear.scatter [tilespmem:s20], [sflag:$0x1], $0x80, $0x38;
	[tilespmem:$0x1400] =	vst v63  }
0x46: {  	s23 =	sadd.s32 $0x1A0, s12;
	s22 =	sor.u32 $0xA00, s13  }
0x47: {  	[hbm4b:s23+s3] =	stream.linear.scatter [tilespmem:s22], [sflag:$0x1], $0x80, $0x38;
	[tilespmem:$0x1400] =	vst v63  }
0x48: {  	s25 =	sadd.s32 $0x220, s12;
	s24 =	sor.u32 $0xC00, s13  }
0x49: {  	[hbm4b:s25+s3] =	stream.linear.scatter [tilespmem:s24], [sflag:$0x1], $0x80, $0x38;
	[tilespmem:$0x1400] =	vst v63  }
0x4a: {  	s28 =	sadd.s32 $0x2A0, s12;
	s26 =	sor.u32 $0xE00, s13  }
0x4b: {  	[hbm4b:s28+s3] =	stream.linear.scatter [tilespmem:s26], [sflag:$0x1], $0x80, $0x38;
	[tilespmem:$0x1400] =	vst v63  }
0x4c: {  	s30 =	sadd.s32 $0x320, s12;
	s29 =	sadd.s32 $0x1000, s13  }
0x4d: {  	[hbm4b:s30+s3] =	stream.linear.scatter [tilespmem:s29], [sflag:$0x1], $0x80, $0x38;
	[tilespmem:$0x1400] =	vst v63  }
0x4e: {  	s31 =	sadd.s32 $0x3A0, s12;
	s13 =	sadd.s32 $0x1200, s13;
	s14 =	spop (v2sf)  }
0x4f: {  	[hbm4b:s31+s3] =	stream.linear.scatter [tilespmem:s13], [sflag:$0x1], $0x80, $0x38;
	[tilespmem:$0x1400] =	vst v63  }
0x50: {  	s15 =	sshll.u32 s14, $0xA;
	s13 =	sshll.u32 s14, $0x7  }
0x51: {  	s14 =	sand.u32 $0xFFFFF000, s15;
	s13 =	sand.u32 $0x180, s13  }
0x52: {  	(v2sf) =	vpush v0, $0x4;
	s13 =	sor.u32 s13, s14  }
0x53: {  	s16 =	sadd.s32 $0x30, s12;
	s17 =	sor.u32 $0x400, s13  }
0x54: {  	[hbm4b:s16+s3] =	stream.linear.scatter [tilespmem:s17], [sflag:$0x1], $0x80, $0x38;
	[tilespmem:$0x1400] =	vst v63  }
0x55: {  	s19 =	sadd.s32 $0xB0, s12;
	s18 =	sor.u32 $0x600, s13  }
0x56: {  	[hbm4b:s19+s3] =	stream.linear.scatter [tilespmem:s18], [sflag:$0x1], $0x80, $0x38;
	[tilespmem:$0x1400] =	vst v63  }
0x57: {  	s21 =	sadd.s32 $0x130, s12;
	s20 =	sor.u32 $0x800, s13  }
0x58: {  	[hbm4b:s21+s3] =	stream.linear.scatter [tilespmem:s20], [sflag:$0x1], $0x80, $0x38;
	[tilespmem:$0x1400] =	vst v63  }
0x59: {  	s23 =	sadd.s32 $0x1B0, s12;
	s22 =	sor.u32 $0xA00, s13  }
0x5a: {  	[hbm4b:s23+s3] =	stream.linear.scatter [tilespmem:s22], [sflag:$0x1], $0x80, $0x38;
	[tilespmem:$0x1400] =	vst v63  }
0x5b: {  	s25 =	sadd.s32 $0x230, s12;
	s24 =	sor.u32 $0xC00, s13  }
0x5c: {  	[hbm4b:s25+s3] =	stream.linear.scatter [tilespmem:s24], [sflag:$0x1], $0x80, $0x38;
	[tilespmem:$0x1400] =	vst v63  }
0x5d: {  	s28 =	sadd.s32 $0x2B0, s12;
	s26 =	sor.u32 $0xE00, s13  }
0x5e: {  	[hbm4b:s28+s3] =	stream.linear.scatter [tilespmem:s26], [sflag:$0x1], $0x80, $0x38;
	[tilespmem:$0x1400] =	vst v63  }
0x5f: {  	s30 =	sadd.s32 $0x330, s12;
	s29 =	sadd.s32 $0x1000, s13  }
0x60: {  	[hbm4b:s30+s3] =	stream.linear.scatter [tilespmem:s29], [sflag:$0x1], $0x80, $0x38;
	[tilespmem:$0x1400] =	vst v63  }
0x61: {  	s31 =	sadd.s32 $0x3B0, s12;
	s13 =	sadd.s32 $0x1200, s13;
	s14 =	spop (v2sf)  }
0x62: {  	[hbm4b:s31+s3] =	stream.linear.scatter [tilespmem:s13], [sflag:$0x1], $0x80, $0x38;
	[tilespmem:$0x1400] =	vst v63  }
0x63: {  	s15 =	sshll.u32 s14, $0xA;
	s13 =	sshll.u32 s14, $0x7  }
0x64: {  	s14 =	sand.u32 $0xFFFFF000, s15;
	s13 =	sand.u32 $0x180, s13  }
0x65: {  	(v2sf) =	vpush v0, $0x5;
	s13 =	sor.u32 s13, s14  }
0x66: {  	s16 =	sadd.s32 $0x40, s12;
	s17 =	sor.u32 $0x400, s13  }
0x67: {  	[hbm4b:s16+s3] =	stream.linear.scatter [tilespmem:s17], [sflag:$0x1], $0x80, $0x38;
	[tilespmem:$0x1400] =	vst v63  }
0x68: {  	s19 =	sadd.s32 $0xC0, s12;
	s18 =	sor.u32 $0x600, s13  }
0x69: {  	[hbm4b:s19+s3] =	stream.linear.scatter [tilespmem:s18], [sflag:$0x1], $0x80, $0x38;
	[tilespmem:$0x1400] =	vst v63  }
0x6a: {  	s21 =	sadd.s32 $0x140, s12;
	s20 =	sor.u32 $0x800, s13  }
0x6b: {  	[hbm4b:s21+s3] =	stream.linear.scatter [tilespmem:s20], [sflag:$0x1], $0x80, $0x38;
	[tilespmem:$0x1400] =	vst v63  }
0x6c: {  	s23 =	sadd.s32 $0x1C0, s12;
	s22 =	sor.u32 $0xA00, s13  }
0x6d: {  	[hbm4b:s23+s3] =	stream.linear.scatter [tilespmem:s22], [sflag:$0x1], $0x80, $0x38;
	[tilespmem:$0x1400] =	vst v63  }
0x6e: {  	s25 =	sadd.s32 $0x240, s12;
	s24 =	sor.u32 $0xC00, s13  }
0x6f: {  	[hbm4b:s25+s3] =	stream.linear.scatter [tilespmem:s24], [sflag:$0x1], $0x80, $0x38;
	[tilespmem:$0x1400] =	vst v63  }
0x70: {  	s28 =	sadd.s32 $0x2C0, s12;
	s26 =	sor.u32 $0xE00, s13  }
0x71: {  	[hbm4b:s28+s3] =	stream.linear.scatter [tilespmem:s26], [sflag:$0x1], $0x80, $0x38;
	[tilespmem:$0x1400] =	vst v63  }
0x72: {  	s30 =	sadd.s32 $0x340, s12;
	s29 =	sadd.s32 $0x1000, s13  }
0x73: {  	[hbm4b:s30+s3] =	stream.linear.scatter [tilespmem:s29], [sflag:$0x1], $0x80, $0x38;
	[tilespmem:$0x1400] =	vst v63  }
0x74: {  	s31 =	sadd.s32 $0x3C0, s12;
	s13 =	sadd.s32 $0x1200, s13;
	s14 =	spop (v2sf)  }
0x75: {  	[hbm4b:s31+s3] =	stream.linear.scatter [tilespmem:s13], [sflag:$0x1], $0x80, $0x38;
	[tilespmem:$0x1400] =	vst v63  }
0x76: {  	s15 =	sshll.u32 s14, $0xA;
	s13 =	sshll.u32 s14, $0x7  }
0x77: {  	s14 =	sand.u32 $0xFFFFF000, s15;
	s13 =	sand.u32 $0x180, s13  }
0x78: {  	(v2sf) =	vpush v0, $0x6;
	s13 =	sor.u32 s13, s14  }
0x79: {  	s16 =	sadd.s32 $0x50, s12;
	s17 =	sor.u32 $0x400, s13  }
0x7a: {  	[hbm4b:s16+s3] =	stream.linear.scatter [tilespmem:s17], [sflag:$0x1], $0x80, $0x38;
	[tilespmem:$0x1400] =	vst v63  }
0x7b: {  	s19 =	sadd.s32 $0xD0, s12;
	s18 =	sor.u32 $0x600, s13  }
0x7c: {  	[hbm4b:s19+s3] =	stream.linear.scatter [tilespmem:s18], [sflag:$0x1], $0x80, $0x38;
	[tilespmem:$0x1400] =	vst v63  }
0x7d: {  	s21 =	sadd.s32 $0x150, s12;
	s20 =	sor.u32 $0x800, s13  }
0x7e: {  	[hbm4b:s21+s3] =	stream.linear.scatter [tilespmem:s20], [sflag:$0x1], $0x80, $0x38;
	[tilespmem:$0x1400] =	vst v63  }
0x7f: {  	s23 =	sadd.s32 $0x1D0, s12;
	s22 =	sor.u32 $0xA00, s13  }
0x80: {  	[hbm4b:s23+s3] =	stream.linear.scatter [tilespmem:s22], [sflag:$0x1], $0x80, $0x38;
	[tilespmem:$0x1400] =	vst v63  }
0x81: {  	s25 =	sadd.s32 $0x250, s12;
	s24 =	sor.u32 $0xC00, s13  }
0x82: {  	[hbm4b:s25+s3] =	stream.linear.scatter [tilespmem:s24], [sflag:$0x1], $0x80, $0x38;
	[tilespmem:$0x1400] =	vst v63  }
0x83: {  	s28 =	sadd.s32 $0x2D0, s12;
	s26 =	sor.u32 $0xE00, s13  }
0x84: {  	[hbm4b:s28+s3] =	stream.linear.scatter [tilespmem:s26], [sflag:$0x1], $0x80, $0x38;
	[tilespmem:$0x1400] =	vst v63  }
0x85: {  	s30 =	sadd.s32 $0x350, s12;
	s29 =	sadd.s32 $0x1000, s13  }
0x86: {  	[hbm4b:s30+s3] =	stream.linear.scatter [tilespmem:s29], [sflag:$0x1], $0x80, $0x38;
	[tilespmem:$0x1400] =	vst v63  }
0x87: {  	s31 =	sadd.s32 $0x3D0, s12;
	s14 =	spop (v2sf);
	s13 =	sadd.s32 $0x1200, s13  }
0x88: {  	[hbm4b:s31+s3] =	stream.linear.scatter [tilespmem:s13], [sflag:$0x1], $0x80, $0x38;
	[tilespmem:$0x1400] =	vst v63  }
0x89: {  	s15 =	sshll.u32 s14, $0xA;
	s13 =	sshll.u32 s14, $0x7  }
0x8a: {  	s14 =	sand.u32 $0xFFFFF000, s15;
	s13 =	sand.u32 $0x180, s13  }
0x8b: {  	(v2sf) =	vpush v0, $0x7;
	s13 =	sor.u32 s13, s14  }
0x8c: {  	s16 =	sadd.s32 $0x60, s12;
	s17 =	sor.u32 $0x400, s13  }
0x8d: {  	[hbm4b:s16+s3] =	stream.linear.scatter [tilespmem:s17], [sflag:$0x1], $0x80, $0x38;
	[tilespmem:$0x1400] =	vst v63  }
0x8e: {  	s19 =	sadd.s32 $0xE0, s12;
	s18 =	sor.u32 $0x600, s13  }
0x8f: {  	[hbm4b:s19+s3] =	stream.linear.scatter [tilespmem:s18], [sflag:$0x1], $0x80, $0x38;
	[tilespmem:$0x1400] =	vst v63  }
0x90: {  	s21 =	sadd.s32 $0x160, s12;
	s20 =	sor.u32 $0x800, s13  }
0x91: {  	[hbm4b:s21+s3] =	stream.linear.scatter [tilespmem:s20], [sflag:$0x1], $0x80, $0x38;
	[tilespmem:$0x1400] =	vst v63  }
0x92: {  	s23 =	sadd.s32 $0x1E0, s12;
	s22 =	sor.u32 $0xA00, s13  }
0x93: {  	[hbm4b:s23+s3] =	stream.linear.scatter [tilespmem:s22], [sflag:$0x1], $0x80, $0x38;
	[tilespmem:$0x1400] =	vst v63  }
0x94: {  	s25 =	sadd.s32 $0x260, s12;
	s24 =	sor.u32 $0xC00, s13  }
0x95: {  	[hbm4b:s25+s3] =	stream.linear.scatter [tilespmem:s24], [sflag:$0x1], $0x80, $0x38;
	[tilespmem:$0x1400] =	vst v63  }
0x96: {  	s28 =	sadd.s32 $0x2E0, s12;
	s26 =	sor.u32 $0xE00, s13  }
0x97: {  	[hbm4b:s28+s3] =	stream.linear.scatter [tilespmem:s26], [sflag:$0x1], $0x80, $0x38;
	[tilespmem:$0x1400] =	vst v63  }
0x98: {  	s30 =	sadd.s32 $0x360, s12;
	s29 =	sadd.s32 $0x1000, s13  }
0x99: {  	[hbm4b:s30+s3] =	stream.linear.scatter [tilespmem:s29], [sflag:$0x1], $0x80, $0x38;
	[tilespmem:$0x1400] =	vst v63  }
0x9a: {  	s31 =	sadd.s32 $0x3E0, s12;
	s14 =	spop (v2sf);
	s13 =	sadd.s32 $0x1200, s13  }
0x9b: {  	[hbm4b:s31+s3] =	stream.linear.scatter [tilespmem:s13], [sflag:$0x1], $0x80, $0x38;
	[tilespmem:$0x1400] =	vst v63  }
0x9c: {  	s15 =	sshll.u32 s14, $0xA;
	s13 =	sshll.u32 s14, $0x7  }
0x9d: {  	s14 =	sand.u32 $0xFFFFF000, s15;
	s13 =	sand.u32 $0x180, s13  }
0x9e: {  	(v2sf) =	vpush v0, $0x8;
	s13 =	sor.u32 s13, s14  }
0x9f: {  	s16 =	sadd.s32 $0x70, s12;
	s17 =	sor.u32 $0x400, s13  }
0xa0: {  	[hbm4b:s16+s3] =	stream.linear.scatter [tilespmem:s17], [sflag:$0x1], $0x80, $0x38;
	[tilespmem:$0x1400] =	vst v63  }
0xa1: {  	s19 =	sadd.s32 $0xF0, s12;
	s18 =	sor.u32 $0x600, s13  }
0xa2: {  	[hbm4b:s19+s3] =	stream.linear.scatter [tilespmem:s18], [sflag:$0x1], $0x80, $0x38;
	[tilespmem:$0x1400] =	vst v63  }
0xa3: {  	s21 =	sadd.s32 $0x170, s12;
	s20 =	sor.u32 $0x800, s13  }
0xa4: {  	[hbm4b:s21+s3] =	stream.linear.scatter [tilespmem:s20], [sflag:$0x1], $0x80, $0x38;
	[tilespmem:$0x1400] =	vst v63  }
0xa5: {  	s23 =	sadd.s32 $0x1F0, s12;
	s22 =	sor.u32 $0xA00, s13  }
0xa6: {  	[hbm4b:s23+s3] =	stream.linear.scatter [tilespmem:s22], [sflag:$0x1], $0x80, $0x38;
	[tilespmem:$0x1400] =	vst v63  }
0xa7: {  	s25 =	sadd.s32 $0x270, s12;
	s24 =	sor.u32 $0xC00, s13  }
0xa8: {  	[hbm4b:s25+s3] =	stream.linear.scatter [tilespmem:s24], [sflag:$0x1], $0x80, $0x38;
	[tilespmem:$0x1400] =	vst v63  }
0xa9: {  	s28 =	sadd.s32 $0x2F0, s12;
	s26 =	sor.u32 $0xE00, s13  }
0xaa: {  	[hbm4b:s28+s3] =	stream.linear.scatter [tilespmem:s26], [sflag:$0x1], $0x80, $0x38;
	[tilespmem:$0x1400] =	vst v63  }
0xab: {  	s30 =	sadd.s32 $0x370, s12;
	s29 =	sadd.s32 $0x1000, s13  }
0xac: {  	[hbm4b:s30+s3] =	stream.linear.scatter [tilespmem:s29], [sflag:$0x1], $0x80, $0x38;
	[tilespmem:$0x1400] =	vst v63  }
0xad: {  	s31 =	sadd.s32 $0x3F0, s12;
	s14 =	spop (v2sf);
	s13 =	sadd.s32 $0x1200, s13  }
0xae: {  	[hbm4b:s31+s3] =	stream.linear.scatter [tilespmem:s13], [sflag:$0x1], $0x80, $0x38;
	[tilespmem:$0x1400] =	vst v63  }
0xaf: {  	s15 =	sshll.u32 s14, $0xA;
	s13 =	sshll.u32 s14, $0x7  }
0xb0: {  	s14 =	sand.u32 $0xFFFFF000, s15;
	s13 =	sand.u32 $0x180, s13  }
0xb1: {  	(v2sf) =	vpush v0, $0x9;
	s13 =	sor.u32 s13, s14  }
0xb2: {  	s16 =	sadd.s32 $0x400, s12;
	s17 =	sor.u32 $0x400, s13  }
0xb3: {  	[hbm4b:s16+s3] =	stream.linear.scatter [tilespmem:s17], [sflag:$0x1], $0x80, $0x38;
	[tilespmem:$0x1400] =	vst v63  }
0xb4: {  	s19 =	sadd.s32 $0x480, s12;
	s18 =	sor.u32 $0x600, s13  }
0xb5: {  	[hbm4b:s19+s3] =	stream.linear.scatter [tilespmem:s18], [sflag:$0x1], $0x80, $0x38;
	[tilespmem:$0x1400] =	vst v63  }
0xb6: {  	s21 =	sadd.s32 $0x500, s12;
	s20 =	sor.u32 $0x800, s13  }
0xb7: {  	[hbm4b:s21+s3] =	stream.linear.scatter [tilespmem:s20], [sflag:$0x1], $0x80, $0x38;
	[tilespmem:$0x1400] =	vst v63  }
0xb8: {  	s23 =	sadd.s32 $0x580, s12;
	s22 =	sor.u32 $0xA00, s13  }
0xb9: {  	[hbm4b:s23+s3] =	stream.linear.scatter [tilespmem:s22], [sflag:$0x1], $0x80, $0x38;
	[tilespmem:$0x1400] =	vst v63  }
0xba: {  	s25 =	sadd.s32 $0x600, s12;
	s24 =	sor.u32 $0xC00, s13  }
0xbb: {  	[hbm4b:s25+s3] =	stream.linear.scatter [tilespmem:s24], [sflag:$0x1], $0x80, $0x38;
	[tilespmem:$0x1400] =	vst v63  }
0xbc: {  	s28 =	sadd.s32 $0x680, s12;
	s26 =	sor.u32 $0xE00, s13  }
0xbd: {  	[hbm4b:s28+s3] =	stream.linear.scatter [tilespmem:s26], [sflag:$0x1], $0x80, $0x38;
	[tilespmem:$0x1400] =	vst v63  }
0xbe: {  	s30 =	sadd.s32 $0x700, s12;
	s29 =	sadd.s32 $0x1000, s13  }
0xbf: {  	[hbm4b:s30+s3] =	stream.linear.scatter [tilespmem:s29], [sflag:$0x1], $0x80, $0x38;
	[tilespmem:$0x1400] =	vst v63  }
0xc0: {  	s31 =	sadd.s32 $0x780, s12;
	s14 =	spop (v2sf);
	s13 =	sadd.s32 $0x1200, s13  }
0xc1: {  	[hbm4b:s31+s3] =	stream.linear.scatter [tilespmem:s13], [sflag:$0x1], $0x80, $0x38;
	[tilespmem:$0x1400] =	vst v63  }
0xc2: {  	s15 =	sshll.u32 s14, $0xA;
	s13 =	sshll.u32 s14, $0x7  }
0xc3: {  	s14 =	sand.u32 $0xFFFFF000, s15;
	s13 =	sand.u32 $0x180, s13  }
0xc4: {  	(v2sf) =	vpush v0, $0xA;
	s13 =	sor.u32 s13, s14  }
0xc5: {  	s16 =	sadd.s32 $0x410, s12;
	s17 =	sor.u32 $0x400, s13  }
0xc6: {  	[hbm4b:s16+s3] =	stream.linear.scatter [tilespmem:s17], [sflag:$0x1], $0x80, $0x38;
	[tilespmem:$0x1400] =	vst v63  }
0xc7: {  	s19 =	sadd.s32 $0x490, s12;
	s18 =	sor.u32 $0x600, s13  }
0xc8: {  	[hbm4b:s19+s3] =	stream.linear.scatter [tilespmem:s18], [sflag:$0x1], $0x80, $0x38;
	[tilespmem:$0x1400] =	vst v63  }
0xc9: {  	s21 =	sadd.s32 $0x510, s12;
	s20 =	sor.u32 $0x800, s13  }
0xca: {  	[hbm4b:s21+s3] =	stream.linear.scatter [tilespmem:s20], [sflag:$0x1], $0x80, $0x38;
	[tilespmem:$0x1400] =	vst v63  }
0xcb: {  	s23 =	sadd.s32 $0x590, s12;
	s22 =	sor.u32 $0xA00, s13  }
0xcc: {  	[hbm4b:s23+s3] =	stream.linear.scatter [tilespmem:s22], [sflag:$0x1], $0x80, $0x38;
	[tilespmem:$0x1400] =	vst v63  }
0xcd: {  	s25 =	sadd.s32 $0x610, s12;
	s24 =	sor.u32 $0xC00, s13  }
0xce: {  	[hbm4b:s25+s3] =	stream.linear.scatter [tilespmem:s24], [sflag:$0x1], $0x80, $0x38;
	[tilespmem:$0x1400] =	vst v63  }
0xcf: {  	s28 =	sadd.s32 $0x690, s12;
	s26 =	sor.u32 $0xE00, s13  }
0xd0: {  	[hbm4b:s28+s3] =	stream.linear.scatter [tilespmem:s26], [sflag:$0x1], $0x80, $0x38;
	[tilespmem:$0x1400] =	vst v63  }
0xd1: {  	s30 =	sadd.s32 $0x710, s12;
	s29 =	sadd.s32 $0x1000, s13  }
0xd2: {  	[hbm4b:s30+s3] =	stream.linear.scatter [tilespmem:s29], [sflag:$0x1], $0x80, $0x38;
	[tilespmem:$0x1400] =	vst v63  }
0xd3: {  	s31 =	sadd.s32 $0x790, s12;
	s14 =	spop (v2sf);
	s13 =	sadd.s32 $0x1200, s13  }
0xd4: {  	[hbm4b:s31+s3] =	stream.linear.scatter [tilespmem:s13], [sflag:$0x1], $0x80, $0x38;
	[tilespmem:$0x1400] =	vst v63  }
0xd5: {  	s15 =	sshll.u32 s14, $0xA;
	s13 =	sshll.u32 s14, $0x7  }
0xd6: {  	s14 =	sand.u32 $0xFFFFF000, s15;
	s13 =	sand.u32 $0x180, s13  }
0xd7: {  	(v2sf) =	vpush v0, $0xB;
	s13 =	sor.u32 s13, s14  }
0xd8: {  	s16 =	sadd.s32 $0x420, s12;
	s17 =	sor.u32 $0x400, s13  }
0xd9: {  	[hbm4b:s16+s3] =	stream.linear.scatter [tilespmem:s17], [sflag:$0x1], $0x80, $0x38;
	[tilespmem:$0x1400] =	vst v63  }
0xda: {  	s19 =	sadd.s32 $0x4A0, s12;
	s18 =	sor.u32 $0x600, s13  }
0xdb: {  	[hbm4b:s19+s3] =	stream.linear.scatter [tilespmem:s18], [sflag:$0x1], $0x80, $0x38;
	[tilespmem:$0x1400] =	vst v63  }
0xdc: {  	s21 =	sadd.s32 $0x520, s12;
	s20 =	sor.u32 $0x800, s13  }
0xdd: {  	[hbm4b:s21+s3] =	stream.linear.scatter [tilespmem:s20], [sflag:$0x1], $0x80, $0x38;
	[tilespmem:$0x1400] =	vst v63  }
0xde: {  	s23 =	sadd.s32 $0x5A0, s12;
	s22 =	sor.u32 $0xA00, s13  }
0xdf: {  	[hbm4b:s23+s3] =	stream.linear.scatter [tilespmem:s22], [sflag:$0x1], $0x80, $0x38;
	[tilespmem:$0x1400] =	vst v63  }
0xe0: {  	s25 =	sadd.s32 $0x620, s12;
	s24 =	sor.u32 $0xC00, s13  }
0xe1: {  	[hbm4b:s25+s3] =	stream.linear.scatter [tilespmem:s24], [sflag:$0x1], $0x80, $0x38;
	[tilespmem:$0x1400] =	vst v63  }
0xe2: {  	s28 =	sadd.s32 $0x6A0, s12;
	s26 =	sor.u32 $0xE00, s13  }
0xe3: {  	[hbm4b:s28+s3] =	stream.linear.scatter [tilespmem:s26], [sflag:$0x1], $0x80, $0x38;
	[tilespmem:$0x1400] =	vst v63  }
0xe4: {  	s30 =	sadd.s32 $0x720, s12;
	s29 =	sadd.s32 $0x1000, s13  }
0xe5: {  	[hbm4b:s30+s3] =	stream.linear.scatter [tilespmem:s29], [sflag:$0x1], $0x80, $0x38;
	[tilespmem:$0x1400] =	vst v63  }
0xe6: {  	s31 =	sadd.s32 $0x7A0, s12;
	s14 =	spop (v2sf);
	s13 =	sadd.s32 $0x1200, s13  }
0xe7: {  	[hbm4b:s31+s3] =	stream.linear.scatter [tilespmem:s13], [sflag:$0x1], $0x80, $0x38;
	[tilespmem:$0x1400] =	vst v63  }
0xe8: {  	s15 =	sshll.u32 s14, $0xA;
	s13 =	sshll.u32 s14, $0x7  }
0xe9: {  	s14 =	sand.u32 $0xFFFFF000, s15;
	s13 =	sand.u32 $0x180, s13  }
0xea: {  	(v2sf) =	vpush v0, $0xC;
	s13 =	sor.u32 s13, s14  }
0xeb: {  	s16 =	sadd.s32 $0x430, s12;
	s17 =	sor.u32 $0x400, s13  }
0xec: {  	[hbm4b:s16+s3] =	stream.linear.scatter [tilespmem:s17], [sflag:$0x1], $0x80, $0x38;
	[tilespmem:$0x1400] =	vst v63  }
0xed: {  	s19 =	sadd.s32 $0x4B0, s12;
	s18 =	sor.u32 $0x600, s13  }
0xee: {  	[hbm4b:s19+s3] =	stream.linear.scatter [tilespmem:s18], [sflag:$0x1], $0x80, $0x38;
	[tilespmem:$0x1400] =	vst v63  }
0xef: {  	s21 =	sadd.s32 $0x530, s12;
	s20 =	sor.u32 $0x800, s13  }
0xf0: {  	[hbm4b:s21+s3] =	stream.linear.scatter [tilespmem:s20], [sflag:$0x1], $0x80, $0x38;
	[tilespmem:$0x1400] =	vst v63  }
0xf1: {  	s23 =	sadd.s32 $0x5B0, s12;
	s22 =	sor.u32 $0xA00, s13  }
0xf2: {  	[hbm4b:s23+s3] =	stream.linear.scatter [tilespmem:s22], [sflag:$0x1], $0x80, $0x38;
	[tilespmem:$0x1400] =	vst v63  }
0xf3: {  	s25 =	sadd.s32 $0x630, s12;
	s24 =	sor.u32 $0xC00, s13  }
0xf4: {  	[hbm4b:s25+s3] =	stream.linear.scatter [tilespmem:s24], [sflag:$0x1], $0x80, $0x38;
	[tilespmem:$0x1400] =	vst v63  }
0xf5: {  	s28 =	sadd.s32 $0x6B0, s12;
	s26 =	sor.u32 $0xE00, s13  }
0xf6: {  	[hbm4b:s28+s3] =	stream.linear.scatter [tilespmem:s26], [sflag:$0x1], $0x80, $0x38;
	[tilespmem:$0x1400] =	vst v63  }
0xf7: {  	s30 =	sadd.s32 $0x730, s12;
	s29 =	sadd.s32 $0x1000, s13  }
0xf8: {  	[hbm4b:s30+s3] =	stream.linear.scatter [tilespmem:s29], [sflag:$0x1], $0x80, $0x38;
	[tilespmem:$0x1400] =	vst v63  }
0xf9: {  	s31 =	sadd.s32 $0x7B0, s12;
	s14 =	spop (v2sf);
	s13 =	sadd.s32 $0x1200, s13  }
0xfa: {  	[hbm4b:s31+s3] =	stream.linear.scatter [tilespmem:s13], [sflag:$0x1], $0x80, $0x38;
	[tilespmem:$0x1400] =	vst v63  }
0xfb: {  	s15 =	sshll.u32 s14, $0xA;
	s13 =	sshll.u32 s14, $0x7  }
0xfc: {  	s14 =	sand.u32 $0xFFFFF000, s15;
	s13 =	sand.u32 $0x180, s13  }
0xfd: {  	(v2sf) =	vpush v0, $0xD;
	s13 =	sor.u32 s13, s14  }
0xfe: {  	s16 =	sadd.s32 $0x440, s12;
	s17 =	sor.u32 $0x400, s13  }
0xff: {  	[hbm4b:s16+s3] =	stream.linear.scatter [tilespmem:s17], [sflag:$0x1], $0x80, $0x38;
	[tilespmem:$0x1400] =	vst v63  }
0x100: {  	s19 =	sadd.s32 $0x4C0, s12;
	s18 =	sor.u32 $0x600, s13  }
0x101: {  	[hbm4b:s19+s3] =	stream.linear.scatter [tilespmem:s18], [sflag:$0x1], $0x80, $0x38;
	[tilespmem:$0x1400] =	vst v63  }
0x102: {  	s21 =	sadd.s32 $0x540, s12;
	s20 =	sor.u32 $0x800, s13  }
0x103: {  	[hbm4b:s21+s3] =	stream.linear.scatter [tilespmem:s20], [sflag:$0x1], $0x80, $0x38;
	[tilespmem:$0x1400] =	vst v63  }
0x104: {  	s23 =	sadd.s32 $0x5C0, s12;
	s22 =	sor.u32 $0xA00, s13  }
0x105: {  	[hbm4b:s23+s3] =	stream.linear.scatter [tilespmem:s22], [sflag:$0x1], $0x80, $0x38;
	[tilespmem:$0x1400] =	vst v63  }
0x106: {  	s25 =	sadd.s32 $0x640, s12;
	s24 =	sor.u32 $0xC00, s13  }
0x107: {  	[hbm4b:s25+s3] =	stream.linear.scatter [tilespmem:s24], [sflag:$0x1], $0x80, $0x38;
	[tilespmem:$0x1400] =	vst v63  }
0x108: {  	s28 =	sadd.s32 $0x6C0, s12;
	s26 =	sor.u32 $0xE00, s13  }
0x109: {  	[hbm4b:s28+s3] =	stream.linear.scatter [tilespmem:s26], [sflag:$0x1], $0x80, $0x38;
	[tilespmem:$0x1400] =	vst v63  }
0x10a: {  	s30 =	sadd.s32 $0x740, s12;
	s29 =	sadd.s32 $0x1000, s13  }
0x10b: {  	[hbm4b:s30+s3] =	stream.linear.scatter [tilespmem:s29], [sflag:$0x1], $0x80, $0x38;
	[tilespmem:$0x1400] =	vst v63  }
0x10c: {  	s31 =	sadd.s32 $0x7C0, s12;
	s14 =	spop (v2sf);
	s13 =	sadd.s32 $0x1200, s13  }
0x10d: {  	[hbm4b:s31+s3] =	stream.linear.scatter [tilespmem:s13], [sflag:$0x1], $0x80, $0x38;
	[tilespmem:$0x1400] =	vst v63  }
0x10e: {  	s15 =	sshll.u32 s14, $0xA;
	s13 =	sshll.u32 s14, $0x7  }
0x10f: {  	s14 =	sand.u32 $0xFFFFF000, s15;
	s13 =	sand.u32 $0x180, s13  }
0x110: {  	(v2sf) =	vpush v0, $0xE;
	s13 =	sor.u32 s13, s14  }
0x111: {  	s16 =	sadd.s32 $0x450, s12;
	s17 =	sor.u32 $0x400, s13  }
0x112: {  	[hbm4b:s16+s3] =	stream.linear.scatter [tilespmem:s17], [sflag:$0x1], $0x80, $0x38;
	[tilespmem:$0x1400] =	vst v63  }
0x113: {  	s19 =	sadd.s32 $0x4D0, s12;
	s18 =	sor.u32 $0x600, s13  }
0x114: {  	[hbm4b:s19+s3] =	stream.linear.scatter [tilespmem:s18], [sflag:$0x1], $0x80, $0x38;
	[tilespmem:$0x1400] =	vst v63  }
0x115: {  	s21 =	sadd.s32 $0x550, s12;
	s20 =	sor.u32 $0x800, s13  }
0x116: {  	[hbm4b:s21+s3] =	stream.linear.scatter [tilespmem:s20], [sflag:$0x1], $0x80, $0x38;
	[tilespmem:$0x1400] =	vst v63  }
0x117: {  	s23 =	sadd.s32 $0x5D0, s12;
	s22 =	sor.u32 $0xA00, s13  }
0x118: {  	[hbm4b:s23+s3] =	stream.linear.scatter [tilespmem:s22], [sflag:$0x1], $0x80, $0x38;
	[tilespmem:$0x1400] =	vst v63  }
0x119: {  	s25 =	sadd.s32 $0x650, s12;
	s24 =	sor.u32 $0xC00, s13  }
0x11a: {  	[hbm4b:s25+s3] =	stream.linear.scatter [tilespmem:s24], [sflag:$0x1], $0x80, $0x38;
	[tilespmem:$0x1400] =	vst v63  }
0x11b: {  	s28 =	sadd.s32 $0x6D0, s12;
	s26 =	sor.u32 $0xE00, s13  }
0x11c: {  	[hbm4b:s28+s3] =	stream.linear.scatter [tilespmem:s26], [sflag:$0x1], $0x80, $0x38;
	[tilespmem:$0x1400] =	vst v63  }
0x11d: {  	s30 =	sadd.s32 $0x750, s12;
	s29 =	sadd.s32 $0x1000, s13  }
0x11e: {  	[hbm4b:s30+s3] =	stream.linear.scatter [tilespmem:s29], [sflag:$0x1], $0x80, $0x38;
	[tilespmem:$0x1400] =	vst v63  }
0x11f: {  	s31 =	sadd.s32 $0x7D0, s12;
	s14 =	spop (v2sf);
	s13 =	sadd.s32 $0x1200, s13  }
0x120: {  	[hbm4b:s31+s3] =	stream.linear.scatter [tilespmem:s13], [sflag:$0x1], $0x80, $0x38;
	[tilespmem:$0x1400] =	vst v63  }
0x121: {  	s15 =	sshll.u32 s14, $0xA;
	s13 =	sshll.u32 s14, $0x7  }
0x122: {  	s14 =	sand.u32 $0xFFFFF000, s15;
	s13 =	sand.u32 $0x180, s13  }
0x123: {  	(v2sf) =	vpush v0, $0xF;
	s13 =	sor.u32 s13, s14  }
0x124: {  	s16 =	sadd.s32 $0x460, s12;
	s17 =	sor.u32 $0x400, s13  }
0x125: {  	[hbm4b:s16+s3] =	stream.linear.scatter [tilespmem:s17], [sflag:$0x1], $0x80, $0x38;
	[tilespmem:$0x1400] =	vst v63  }
0x126: {  	s19 =	sadd.s32 $0x4E0, s12;
	s18 =	sor.u32 $0x600, s13  }
0x127: {  	[hbm4b:s19+s3] =	stream.linear.scatter [tilespmem:s18], [sflag:$0x1], $0x80, $0x38;
	[tilespmem:$0x1400] =	vst v63  }
0x128: {  	s21 =	sadd.s32 $0x560, s12;
	s20 =	sor.u32 $0x800, s13  }
0x129: {  	[hbm4b:s21+s3] =	stream.linear.scatter [tilespmem:s20], [sflag:$0x1], $0x80, $0x38;
	[tilespmem:$0x1400] =	vst v63  }
0x12a: {  	s23 =	sadd.s32 $0x5E0, s12;
	s22 =	sor.u32 $0xA00, s13  }
0x12b: {  	[hbm4b:s23+s3] =	stream.linear.scatter [tilespmem:s22], [sflag:$0x1], $0x80, $0x38;
	[tilespmem:$0x1400] =	vst v63  }
0x12c: {  	s25 =	sadd.s32 $0x660, s12;
	s24 =	sor.u32 $0xC00, s13  }
0x12d: {  	[hbm4b:s25+s3] =	stream.linear.scatter [tilespmem:s24], [sflag:$0x1], $0x80, $0x38;
	[tilespmem:$0x1400] =	vst v63  }
0x12e: {  	s28 =	sadd.s32 $0x6E0, s12;
	s26 =	sor.u32 $0xE00, s13  }
0x12f: {  	[hbm4b:s28+s3] =	stream.linear.scatter [tilespmem:s26], [sflag:$0x1], $0x80, $0x38;
	[tilespmem:$0x1400] =	vst v63  }
0x130: {  	s30 =	sadd.s32 $0x760, s12;
	s29 =	sadd.s32 $0x1000, s13  }
0x131: {  	[hbm4b:s30+s3] =	stream.linear.scatter [tilespmem:s29], [sflag:$0x1], $0x80, $0x38;
	[tilespmem:$0x1400] =	vst v63  }
0x132: {  	s31 =	sadd.s32 $0x7E0, s12;
	s15 =	spop (v2sf);
	s13 =	sadd.s32 $0x1200, s13  }
0x133: {  	[hbm4b:s31+s3] =	stream.linear.scatter [tilespmem:s13], [sflag:$0x1], $0x80, $0x38;
	[tilespmem:$0x1400] =	vst v63  }
0x134: {  	s16 =	sshll.u32 s15, $0xA;
	s13 =	sshll.u32 s15, $0x7  }
0x135: {  	s14 =	sand.u32 $0xFFFFF000, s16;
	s13 =	sand.u32 $0x180, s13  }
0x136: {  	s13 =	sor.u32 s13, s14  }
0x137: {  	s17 =	sadd.s32 $0x470, s12;
	s18 =	sor.u32 $0x400, s13  }
0x138: {  	[hbm4b:s17+s3] =	stream.linear.scatter [tilespmem:s18], [sflag:$0x1], $0x80, $0x38;
	[tilespmem:$0x1400] =	vst v63  }
0x139: {  	s20 =	sadd.s32 $0x4F0, s12;
	s19 =	sor.u32 $0x600, s13  }
0x13a: {  	[hbm4b:s20+s3] =	stream.linear.scatter [tilespmem:s19], [sflag:$0x1], $0x80, $0x38;
	[tilespmem:$0x1400] =	vst v63  }
0x13b: {  	s22 =	sadd.s32 $0x570, s12;
	s21 =	sor.u32 $0x800, s13  }
0x13c: {  	[hbm4b:s22+s3] =	stream.linear.scatter [tilespmem:s21], [sflag:$0x1], $0x80, $0x38;
	[tilespmem:$0x1400] =	vst v63  }
0x13d: {  	s24 =	sadd.s32 $0x5F0, s12;
	s23 =	sor.u32 $0xA00, s13  }
0x13e: {  	[hbm4b:s24+s3] =	stream.linear.scatter [tilespmem:s23], [sflag:$0x1], $0x80, $0x38;
	[tilespmem:$0x1400] =	vst v63  }
0x13f: {  	s26 =	sadd.s32 $0x670, s12;
	s25 =	sor.u32 $0xC00, s13  }
0x140: {  	[hbm4b:s26+s3] =	stream.linear.scatter [tilespmem:s25], [sflag:$0x1], $0x80, $0x38;
	[tilespmem:$0x1400] =	vst v63  }
0x141: {  	s29 =	sadd.s32 $0x6F0, s12;
	s28 =	sor.u32 $0xE00, s13  }
0x142: {  	[hbm4b:s29+s3] =	stream.linear.scatter [tilespmem:s28], [sflag:$0x1], $0x80, $0x38;
	[tilespmem:$0x1400] =	vst v63  }
0x143: {  	s31 =	sadd.s32 $0x770, s12;
	s30 =	sadd.s32 $0x1000, s13  }
0x144: {  	[hbm4b:s31+s3] =	stream.linear.scatter [tilespmem:s30], [sflag:$0x1], $0x80, $0x38;
	[tilespmem:$0x1400] =	vst v63  }
0x145: {  	p0 =	seq.s32 s11, $0x0;
	s12 =	sadd.s32 $0x7F0, s12;
	s13 =	sadd.s32 $0x1200, s13  }
0x146: {  	[hbm4b:s12+s3] =	stream.linear.scatter [tilespmem:s13], [sflag:$0x1], $0x80, $0x38;
	[tilespmem:$0x1400] =	vst v63  }
0x147: {  	s12 =	simm.s32 @!p0 $0x1  }
0x148: {  	_ =	swait.ge @!p0 [sflag:s12], $0x400  }
0x149: {  	[sflag:s12] =	ssyncset.done @!p0 $0x0  }
0x14a: {  	[sflag:s12] =	ssyncadd.s32 @!p0 $0xFFFFFC00  }
0x14b: {  	_ =	swait.ge @!p0 [sflag:s12], $0x400  }
0x14c: {  	[sflag:s12] =	ssyncset.done @!p0 $0x0  }
0x14d: {  	[sflag:s12] =	ssyncadd.s32 @!p0 $0xFFFFFC00  }
0x14e: {  	_ =	swait.ge @!p0 [sflag:s12], $0x400  }
0x14f: {  	[sflag:s12] =	ssyncset.done @!p0 $0x0  }
0x150: {  	[sflag:s12] =	ssyncadd.s32 @!p0 $0xFFFFFC00  }
0x151: {  	_ =	swait.ge @!p0 [sflag:s12], $0x400  }
0x152: {  	[sflag:s12] =	ssyncset.done @!p0 $0x0  }
0x153: {  	[sflag:s12] =	ssyncadd.s32 @!p0 $0xFFFFFC00  }
0x154: {  	_ =	swait.ge @!p0 [sflag:s12], $0x400  }
0x155: {  	[sflag:s12] =	ssyncset.done @!p0 $0x0  }
0x156: {  	[sflag:s12] =	ssyncadd.s32 @!p0 $0xFFFFFC00  }
0x157: {  	_ =	swait.ge @!p0 [sflag:s12], $0x400  }
0x158: {  	[sflag:s12] =	ssyncset.done @!p0 $0x0  }
0x159: {  	[sflag:s12] =	ssyncadd.s32 @!p0 $0xFFFFFC00  }
0x15a: {  	_ =	swait.ge @!p0 [sflag:s12], $0x400  }
0x15b: {  	[sflag:s12] =	ssyncset.done @!p0 $0x0  }
0x15c: {  	[sflag:s12] =	ssyncadd.s32 @!p0 $0xFFFFFC00  }
0x15d: {  	_ =	swait.ge @!p0 [sflag:s12], $0x400  }
0x15e: {  	[sflag:s12] =	ssyncset.done @!p0 $0x0  }
0x15f: {  	[sflag:s12] =	ssyncadd.s32 @!p0 $0xFFFFFC00  }
0x160: {  	_ =	swait.ge @!p0 [sflag:s12], $0x400  }
0x161: {  	[sflag:s12] =	ssyncset.done @!p0 $0x0  }
0x162: {  	[sflag:s12] =	ssyncadd.s32 @!p0 $0xFFFFFC00  }
0x163: {  	_ =	swait.ge @!p0 [sflag:s12], $0x400  }
0x164: {  	[sflag:s12] =	ssyncset.done @!p0 $0x0  }
0x165: {  	[sflag:s12] =	ssyncadd.s32 @!p0 $0xFFFFFC00  }
0x166: {  	_ =	swait.ge @!p0 [sflag:s12], $0x400  }
0x167: {  	[sflag:s12] =	ssyncset.done @!p0 $0x0  }
0x168: {  	[sflag:s12] =	ssyncadd.s32 @!p0 $0xFFFFFC00  }
0x169: {  	_ =	swait.ge @!p0 [sflag:s12], $0x400  }
0x16a: {  	[sflag:s12] =	ssyncset.done @!p0 $0x0  }
0x16b: {  	[sflag:s12] =	ssyncadd.s32 @!p0 $0xFFFFFC00  }
0x16c: {  	_ =	swait.ge @!p0 [sflag:s12], $0x400  }
0x16d: {  	[sflag:s12] =	ssyncset.done @!p0 $0x0  }
0x16e: {  	[sflag:s12] =	ssyncadd.s32 @!p0 $0xFFFFFC00  }
0x16f: {  	_ =	swait.ge @!p0 [sflag:s12], $0x400  }
0x170: {  	[sflag:s12] =	ssyncset.done @!p0 $0x0  }
0x171: {  	s11 =	sadd.s32 $0x800, s11;
	[sflag:s12] =	ssyncadd.s32 @!p0 $0xFFFFFC00  }
0x172: {  	p1 =	sne.s32 s11, $0x20000;
	_ =	swait.ge @!p0 [sflag:s12], $0x400  }
.Ltmp0:
0x173: {  	[sflag:s12] =	ssyncset.done @!p0 $0x0;
	(pc) =	sbr.rel @p1 .LBB2_2-.Ltmp0, $4  }
0x174: {  	[sflag:s12] =	ssyncadd.s32 @!p0 $0xFFFFFC00  }
0x175: {  	_ =	swait.ge @!p0 [sflag:s12], $0x400  }
0x176: {  	[sflag:s12] =	ssyncset.done @!p0 $0x0  }
0x177: {  	s10 =	sadd.s32 $0x10, s10;
	[sflag:s12] =	ssyncadd.s32 @!p0 $0xFFFFFC00  }
0x178: {  	_ =	swait.ge [sflag:s8], $0x400  }
0x179: {  	[sflag:s8] =	ssyncset.done $0x0  }
0x17a: {  	[sflag:s8] =	ssyncadd.s32 $0xFFFFFC00  }
0x17b: {  	_ =	swait.ge [sflag:s8], $0x400  }
0x17c: {  	[sflag:s8] =	ssyncset.done $0x0  }
0x17d: {  	[sflag:s8] =	ssyncadd.s32 $0xFFFFFC00  }
0x17e: {  	_ =	swait.ge [sflag:s8], $0x400  }
0x17f: {  	[sflag:s8] =	ssyncset.done $0x0  }
0x180: {  	[sflag:s8] =	ssyncadd.s32 $0xFFFFFC00  }
0x181: {  	_ =	swait.ge [sflag:s8], $0x400  }
0x182: {  	[sflag:s8] =	ssyncset.done $0x0  }
0x183: {  	[sflag:s8] =	ssyncadd.s32 $0xFFFFFC00  }
0x184: {  	_ =	swait.ge [sflag:s8], $0x400  }
0x185: {  	[sflag:s8] =	ssyncset.done $0x0  }
0x186: {  	[sflag:s8] =	ssyncadd.s32 $0xFFFFFC00  }
0x187: {  	_ =	swait.ge [sflag:s8], $0x400  }
0x188: {  	[sflag:s8] =	ssyncset.done $0x0  }
0x189: {  	[sflag:s8] =	ssyncadd.s32 $0xFFFFFC00  }
0x18a: {  	_ =	swait.ge [sflag:s8], $0x400  }
0x18b: {  	[sflag:s8] =	ssyncset.done $0x0  }
0x18c: {  	[sflag:s8] =	ssyncadd.s32 $0xFFFFFC00  }
0x18d: {  	_ =	swait.ge [sflag:s8], $0x400  }
0x18e: {  	[sflag:s8] =	ssyncset.done $0x0  }
0x18f: {  	[sflag:s8] =	ssyncadd.s32 $0xFFFFFC00  }
0x190: {  	_ =	swait.ge [sflag:s8], $0x400  }
0x191: {  	[sflag:s8] =	ssyncset.done $0x0  }
0x192: {  	[sflag:s8] =	ssyncadd.s32 $0xFFFFFC00  }
0x193: {  	_ =	swait.ge [sflag:s8], $0x400  }
0x194: {  	[sflag:s8] =	ssyncset.done $0x0  }
0x195: {  	[sflag:s8] =	ssyncadd.s32 $0xFFFFFC00  }
0x196: {  	_ =	swait.ge [sflag:s8], $0x400  }
0x197: {  	[sflag:s8] =	ssyncset.done $0x0  }
0x198: {  	[sflag:s8] =	ssyncadd.s32 $0xFFFFFC00  }
0x199: {  	_ =	swait.ge [sflag:s8], $0x400  }
0x19a: {  	[sflag:s8] =	ssyncset.done $0x0  }
0x19b: {  	[sflag:s8] =	ssyncadd.s32 $0xFFFFFC00  }
0x19c: {  	_ =	swait.ge [sflag:s8], $0x400  }
0x19d: {  	[sflag:s8] =	ssyncset.done $0x0  }
0x19e: {  	[sflag:s8] =	ssyncadd.s32 $0xFFFFFC00  }
0x19f: {  	_ =	swait.ge [sflag:s8], $0x400  }
0x1a0: {  	[sflag:s8] =	ssyncset.done $0x0  }
0x1a1: {  	s9 =	sadd.s32 $0x1, s9;
	[sflag:s8] =	ssyncadd.s32 $0xFFFFFC00  }
0x1a2: {  	p0 =	sne.s32 s9, s5;
	_ =	swait.ge [sflag:s8], $0x400  }
.Ltmp1:
0x1a3: {  	[sflag:s8] =	ssyncset.done $0x0;
	(pc) =	sbr.rel @p0 .LBB2_1-.Ltmp1, $4  }
0x1a4: {  	[sflag:s8] =	ssyncadd.s32 $0xFFFFFC00  }
0x1a5: {  	_ =	swait.ge [sflag:s8], $0x400  }
0x1a6: {  	[sflag:s8] =	ssyncset.done $0x0  }
0x1a7: {  	[sflag:s8] =	ssyncadd.s32 $0xFFFFFC00  }
0x1a8: {  	_ =	sfence.sel $0x180000  }
0x1a9: {  	[bflag:$0x0] =	sbarrier.arrive $0xFFFF  }
0x1aa: {  	p0 =	sne.s32 s1, $0x0;
	_ =	strace $0x90000047  }
0x1ab: {  	s0 =	sadd.s32 @!p0 $0x100000, s0;
	[bflag:$0x2] =	sbarrier.arrive $0xFFFF  }
0x1ac: {  	[sflag:s0] =	ssyncadd.tile.s32 @!p0 $0x1;
	_ =	shalt  }
.Lfunc_end2:
_tile_overlayer_lowered:
.L_overlay_start_2:
0x1ad: {  	(tag) =	ssettag $0x2  }
0x1ae: {  	s0 =	rddreg [dreg:$0x0];
	s2 =	stileid.u32  }
0x1af: {  	s1 =	rddreg [dreg:$0x1];
	p0 =	sne.s32 s2, $0x0  }
0x1b0: {  	s3 =	rddreg [dreg:$0x2];
	[bflag:$0x3] =	sbarrier.arrive $0xFFFF;
	s2 =	simm.s32 @!p0 $0x1C02  }
0x1b1: {  	[timem:s3], [sflag:s2] =	dma.local @!p0 [hbm:s0], s1  }
0x1b2: {  	s0 =	simm.s32 @!p0 $0x2  }
0x1b3: {  	_ =	swait.ge @!p0 [sflag:s0], s1  }
0x1b4: {  	s1 =	ssub.s32 @!p0 $0x0, s1;
	[sflag:s0] =	ssyncset.done @!p0 $0x0  }
0x1b5: {  	[sflag:s0] =	ssyncadd.s32 @!p0 s1  }
0x1b6: {  	[bflag:$0x3] =	sbarrier.arrive $0xFFFF  }
0x1b7: {  	_ =	shalt  }

</sc_bundles>
